<compile_context>
chip_gen: v7x
topology: tpu7x:2x2x1
jax: 0.10.2.dev20260603
libtpu: 0.0.44.dev20260713+nightly
codegen_flags: <defaults>
</compile_context>

<pallas_src>
import functools

import jax
import jax.numpy as jnp
import numpy as np
from jax.experimental import pallas as pl
from jax.experimental.pallas import tpu as pltpu

B = 8
L = 1024
NUM_HIDDEN = 128
RBF_NUM = 16
TOP_K = 30
D_MAX = 20.0
EB = 512
E_TOT = L * TOP_K
MUS = np.linspace(0.0, D_MAX, RBF_NUM).astype(np.float32)
SIG = D_MAX / RBF_NUM


def _nrm(x, eps=1e-12):
    n = jnp.linalg.norm(x, axis=-1, keepdims=True)
    return x / jnp.maximum(n, eps)


def _gather_b(nodes, idx):
    return jax.vmap(lambda n, i: n[i])(nodes, idx)



def _topk_body(cax_ref, caxt_ref, out_ref):
    xc = cax_ref[0]
    xr = caxt_ref[0]
    d0 = xc[:, 0:1] - xr[0:1, :]
    d1 = xc[:, 1:2] - xr[1:2, :]
    d2 = xc[:, 2:3] - xr[2:3, :]
    D = jnp.sqrt(d0 * d0 + d1 * d1 + d2 * d2 + 1e-6)
    iota_c = jax.lax.broadcasted_iota(jnp.int32, (L, 128), 0)

    def body(k, Dm):
        m = jnp.min(Dm, axis=0, keepdims=True)
        cand = jnp.where(Dm == m, iota_c, jnp.int32(2047))
        amin = jnp.min(cand, axis=0, keepdims=True)
        out_ref[pl.ds(k, 1), :] = amin
        return jnp.where(iota_c == amin, jnp.float32(jnp.inf), Dm)

    jax.lax.fori_loop(0, TOP_K, body, D)


def _topk_idx(X):
    XT = jnp.swapaxes(X, 1, 2)
    out = pl.pallas_call(
        _topk_body,
        grid=(B, L // 128),
        in_specs=[
            pl.BlockSpec((1, L, 3), lambda b, i: (b, 0, 0)),
            pl.BlockSpec((1, 3, 128), lambda b, i: (b, 0, i)),
        ],
        out_specs=pl.BlockSpec((32, 128), lambda b, i: (b * (L // 128) + i, 0)),
        out_shape=jax.ShapeDtypeStruct((B * (L // 128) * 32, 128), jnp.int32),
    )(X, XT)
    out = out.reshape(B, L // 128, 32, 128)[:, :, :TOP_K, :]
    return jnp.transpose(out, (0, 1, 3, 2)).reshape(B, L, TOP_K)



def _node_rbf_f(X):
    D_mu = MUS.reshape(1, -1)
    r0 = jnp.array([0, 0, 0, 0, 0, 1, 1, 1, 1, 2, 2, 2, 3, 3, 4])
    r1 = jnp.array([1, 2, 3, 4, 5, 2, 3, 4, 5, 3, 4, 5, 4, 5, 5])
    D = jnp.linalg.norm(X[:, :, r0] - X[:, :, r1], axis=-1)
    out = jnp.exp(-(((D[..., None] - D_mu) / SIG) ** 2))
    return out.reshape(out.shape[0], out.shape[1], -1)


def _node_angle_f(X, mask, eps=1e-7):
    Bsz = X.shape[0]
    Xr = X[:, :, :3].reshape(Bsz, 3 * X.shape[1], 3)
    dX = Xr[:, 1:] - Xr[:, :-1]
    U = _nrm(dX)
    u_2 = U[:, :-2]; u_1 = U[:, 1:-1]; u_0 = U[:, 2:]
    n_2 = _nrm(jnp.cross(u_2, u_1))
    n_1 = _nrm(jnp.cross(u_1, u_0))
    cosD = jnp.clip(jnp.sum(n_2 * n_1, -1), -1 + eps, 1 - eps)
    D = jnp.sign(jnp.sum(u_2 * n_1, -1)) * jnp.arccos(cosD)
    D = jnp.pad(D, ((0, 0), (1, 2)))
    D = D.reshape(Bsz, -1, 3)
    dihedral = jnp.concatenate([jnp.cos(D), jnp.sin(D)], axis=-1)
    cosD2 = jnp.clip(jnp.sum(u_2 * u_1, -1), -1 + eps, 1 - eps)
    D2 = jnp.arccos(cosD2)
    D2 = jnp.pad(D2, ((0, 0), (1, 2)))
    D2 = D2.reshape(Bsz, -1, 3)
    bond_angles = jnp.concatenate([jnp.cos(D2), jnp.sin(D2)], axis=-1)
    node_angles = jnp.concatenate([dihedral, bond_angles], axis=-1)
    last = (jnp.sum(mask, axis=-1) - 1).astype(jnp.int32)
    node_angles = node_angles.at[jnp.arange(Bsz), last].set(0.0)
    return node_angles


def _frames(xyz):
    A_n = xyz[:, :, 0]; A_ca = xyz[:, :, 1]; A_c = xyz[:, :, 2]
    u = _nrm(A_n - A_ca)
    v = _nrm(A_ca - A_c)
    b = _nrm(u - v)
    n = _nrm(jnp.cross(u, v))
    return b, n, jnp.cross(b, n)


def _node_direct_f(xyz, b, n, bxn):
    A_ca = xyz[:, :, 1]
    lf = jnp.stack([b, n, bxn], axis=-1)
    t = _nrm(xyz[:, :, jnp.array([0, 2, 3, 4, 5])] - A_ca[:, :, None, :])
    return jnp.matmul(t, lf).reshape(xyz.shape[0], xyz.shape[1], -1)


def _orient_O(CaX):
    dX = CaX[:, 1:, :] - CaX[:, :-1, :]
    U = _nrm(dX)
    u_2 = U[:, :-2, :]; u_1 = U[:, 1:-1, :]
    n_2 = _nrm(jnp.cross(u_2, u_1))
    o_1 = _nrm(u_2 - u_1)
    O = jnp.stack([o_1, n_2, jnp.cross(o_1, n_2)], axis=2)
    O = O.reshape(O.shape[0], O.shape[1], 9)
    return jnp.pad(O, ((0, 0), (1, 2), (0, 0)))



def _quat_signs(O_flat, E_idx):
    O_neighbors = _gather_b(O_flat, E_idx)
    O = O_flat.reshape(O_flat.shape[0], O_flat.shape[1], 3, 3)
    On = O_neighbors.reshape(
        O_neighbors.shape[0], O_neighbors.shape[1], O_neighbors.shape[2], 3, 3)
    R = jnp.matmul(jnp.swapaxes(O[:, :, None], -1, -2), On)
    return jnp.sign(jnp.stack(
        [R[..., 2, 1] - R[..., 1, 2], R[..., 0, 2] - R[..., 2, 0],
         R[..., 1, 0] - R[..., 0, 1]], axis=-1))



def _edge_body(g_ref, q_ref, ori_ref, wt_ref, b_ref, gam_ref, bet_ref, o_ref):
    g = g_ref[0]
    q = q_ref[0]

    def G(i):
        return g[i:i + 1, :]

    def Q(i):
        return q[i:i + 1, :]

    eps = jnp.float32(1e-12)
    d = [[G(a * 3 + r) - Q(r) for r in range(3)] for a in range(6)]
    Dn = [jnp.sqrt(d[a][0] * d[a][0] + d[a][1] * d[a][1] + d[a][2] * d[a][2])
          for a in range(6)]
    t2 = [[d[a][r] / jnp.maximum(Dn[a], eps) for r in range(3)]
          for a in range(6)]
    feats = []
    for a in range(6):
        for c in range(3):
            feats.append(t2[a][0] * Q(3 + c * 3 + 0)
                         + t2[a][1] * Q(3 + c * 3 + 1)
                         + t2[a][2] * Q(3 + c * 3 + 2))
    s = ori_ref[0]
    du = [Q(12 + 3 * r + 0) * d[1][0] + Q(12 + 3 * r + 1) * d[1][1]
          + Q(12 + 3 * r + 2) * d[1][2] for r in range(3)]
    ndu = jnp.maximum(
        jnp.sqrt(du[0] * du[0] + du[1] * du[1] + du[2] * du[2]), eps)
    feats += [du[0] / ndu, du[1] / ndu, du[2] / ndu]
    R = [[G(18 + 0 + c) * Q(12 + 0 + r) + G(18 + 3 + c) * Q(12 + 3 + r)
          + G(18 + 6 + c) * Q(12 + 6 + r) for c in range(3)] for r in range(3)]
    Rxx, Ryy, Rzz = R[0][0], R[1][1], R[2][2]
    qx = s[0:1, :] * (0.5 * jnp.sqrt(jnp.abs(1.0 + Rxx - Ryy - Rzz)))
    qy = s[1:2, :] * (0.5 * jnp.sqrt(jnp.abs(1.0 - Rxx + Ryy - Rzz)))
    qz = s[2:3, :] * (0.5 * jnp.sqrt(jnp.abs(1.0 - Rxx - Ryy + Rzz)))
    qw = jnp.sqrt(jax.nn.relu(1.0 + Rxx + Ryy + Rzz)) / 2.0
    qn = jnp.maximum(
        jnp.sqrt(qx * qx + qy * qy + qz * qz + qw * qw), eps)
    feats += [qx / qn, qy / qn, qz / qn, qw / qn]
    inv_sig = jnp.float32(1.0 / SIG)
    for a in range(6):
        for m in range(RBF_NUM):
            t = (Dn[a] - jnp.float32(MUS[m])) * inv_sig
            feats.append(jnp.exp(-(t * t)))
    zero = jnp.zeros_like(feats[0])
    F = jnp.concatenate(feats + [zero] * (128 - len(feats)), axis=0)
    y = jnp.dot(wt_ref[...], F, preferred_element_type=jnp.float32) + b_ref[...]
    mu = jnp.mean(y, axis=0, keepdims=True)
    var = jnp.mean((y - mu) ** 2, axis=0, keepdims=True)
    o_ref[0] = (y - mu) * jax.lax.rsqrt(var + 1e-5) * gam_ref[...] + bet_ref[...]


def _edge_fused(Gt, Qt, Ot, W_edge, b_edge, g_edge, be_edge):
    Wt = jnp.concatenate(
        [W_edge.T, jnp.zeros((NUM_HIDDEN, 128 - W_edge.shape[0]), jnp.float32)],
        axis=1)
    out = pl.pallas_call(
        _edge_body,
        grid=(B, E_TOT // EB),
        in_specs=[
            pl.BlockSpec((1, 27, EB), lambda b, j: (b, 0, j)),
            pl.BlockSpec((1, 21, EB), lambda b, j: (b, 0, j)),
            pl.BlockSpec((1, 3, EB), lambda b, j: (b, 0, j)),
            pl.BlockSpec((128, 128), lambda b, j: (0, 0)),
            pl.BlockSpec((NUM_HIDDEN, 1), lambda b, j: (0, 0)),
            pl.BlockSpec((NUM_HIDDEN, 1), lambda b, j: (0, 0)),
            pl.BlockSpec((NUM_HIDDEN, 1), lambda b, j: (0, 0)),
        ],
        out_specs=pl.BlockSpec((1, NUM_HIDDEN, EB), lambda b, j: (b, 0, j)),
        out_shape=jax.ShapeDtypeStruct((B, NUM_HIDDEN, E_TOT), jnp.float32),
    )(Gt, Qt, Ot, Wt, b_edge.reshape(-1, 1), g_edge.reshape(-1, 1),
      be_edge.reshape(-1, 1))
    return jnp.transpose(out, (0, 2, 1)).reshape(B, L, TOP_K, NUM_HIDDEN)



def _proj_ln_body(f_ref, w_ref, b_ref, g_ref, be_ref, o_ref):
    f = f_ref[...]
    w = w_ref[...]
    y = jnp.dot(f, w, preferred_element_type=jnp.float32) + b_ref[...]
    mu = jnp.mean(y, axis=-1, keepdims=True)
    var = jnp.mean((y - mu) ** 2, axis=-1, keepdims=True)
    o_ref[...] = (y - mu) * jax.lax.rsqrt(var + 1e-5) * g_ref[...] + be_ref[...]


def _proj_ln(feat2d, Wm, bm, gm, bem, blk):
    n, fin = feat2d.shape
    h = Wm.shape[1]
    grid = n // blk
    return pl.pallas_call(
        _proj_ln_body,
        grid=(grid,),
        in_specs=[
            pl.BlockSpec((blk, fin), lambda i: (i, 0)),
            pl.BlockSpec((fin, h), lambda i: (0, 0)),
            pl.BlockSpec((1, h), lambda i: (0, 0)),
            pl.BlockSpec((1, h), lambda i: (0, 0)),
            pl.BlockSpec((1, h), lambda i: (0, 0)),
        ],
        out_specs=pl.BlockSpec((blk, h), lambda i: (i, 0)),
        out_shape=jax.ShapeDtypeStruct((n, h), jnp.float32),
    )(feat2d, Wm, bm.reshape(1, h), gm.reshape(1, h), bem.reshape(1, h))


def kernel(xyz, mask, W_edge, b_edge, g_edge, be_edge,
           W_node, b_node, g_node, be_node):
    CaX = xyz[:, :, 1]
    edge_index = _topk_idx(CaX)

    b, n, bxn = _frames(xyz)
    node_dir = _node_direct_f(xyz, b, n, bxn)
    node_angle = _node_angle_f(xyz, mask)
    node_rbf = _node_rbf_f(xyz)
    geo_node_feat = jnp.concatenate([node_dir, node_angle, node_rbf], axis=-1)
    node2d = geo_node_feat.reshape(B * L, -1)
    node = _proj_ln(node2d, W_node, b_node, g_node, be_node, 512).reshape(
        B, L, NUM_HIDDEN)

    O9 = _orient_O(CaX)
    S = _quat_signs(O9, edge_index)
    Tn = jnp.concatenate([xyz.reshape(B, L, 18), O9], axis=-1)
    Tq = jnp.concatenate([CaX, b, n, bxn, O9], axis=-1)
    idxf = edge_index.reshape(B, E_TOT)
    G = _gather_b(Tn, idxf)
    Qe = jnp.repeat(Tq, TOP_K, axis=1)
    Gt = jnp.transpose(G, (0, 2, 1))
    Qt = jnp.transpose(Qe, (0, 2, 1))
    St = jnp.transpose(S.reshape(B, E_TOT, 3), (0, 2, 1))
    edge = _edge_fused(Gt, Qt, St, W_edge, b_edge, g_edge, be_edge)
    return (node, edge, edge_index)

# --- scband reference (transcript-rebuilt; emitter-appended) ---
"""Pipeline reference for scband-edge-feature-70231305224240 (READ-ONLY COPY).

The authoritative reference and input builder live on the scoring server;
editing this copy changes nothing except your own understanding.
"""

import jax
import jax.numpy as jnp
import numpy as np

B = 8
L = 1024
NUM_HIDDEN = 128
RBF_NUM = 16
TOP_K = 30
D_MAX = 20.0

def _normalize(x, eps=1e-12):
    n = jnp.linalg.norm(x, axis=-1, keepdims=True)
    return x / jnp.maximum(n, eps)

def _gather_nodes(nodes, idx):
    return jax.vmap(lambda n, i: n[i])(nodes, idx)

def _layer_norm(x, g, b, eps=1e-5):
    mu = jnp.mean(x, axis=-1, keepdims=True)
    var = jnp.var(x, axis=-1, keepdims=True)
    return (x - mu) / jnp.sqrt(var + eps) * g + b

def _distance(X, mask, top_k, eps=1e-6):
    mask_2D = mask[:, None, :] * mask[:, :, None]
    dX = X[:, None, :, :] - X[:, :, None, :]
    D = mask_2D * jnp.sqrt(jnp.sum(dX ** 2, axis=3) + eps)
    D_max = jnp.max(D, axis=-1, keepdims=True)
    D_adjust = D + (1.0 - mask_2D) * D_max
    _, E_idx = jax.lax.top_k(-D_adjust, top_k)
    return E_idx

def _quaternions(R):
    diag = jnp.diagonal(R, axis1=-2, axis2=-1)
    Rxx = diag[..., 0]; Ryy = diag[..., 1]; Rzz = diag[..., 2]
    magnitudes = 0.5 * jnp.sqrt(jnp.abs(1 + jnp.stack([Rxx - Ryy - Rzz, -Rxx + Ryy - Rzz, -Rxx - Ryy + Rzz], axis=-1)))
    signs = jnp.sign(jnp.stack([R[..., 2, 1] - R[..., 1, 2], R[..., 0, 2] - R[..., 2, 0], R[..., 1, 0] - R[..., 0, 1]], axis=-1))
    xyz = signs * magnitudes
    w = jnp.sqrt(jax.nn.relu(1 + jnp.sum(diag, axis=-1, keepdims=True))) / 2.0
    Q = jnp.concatenate([xyz, w], axis=-1)
    return _normalize(Q)

def _edge_rbf(X, edge_index, D_min=0.0, D_max=20.0):
    X_neigh = _gather_nodes(X, edge_index)
    CaX = X[:, :, 1]
    D = jnp.linalg.norm(X_neigh - CaX[:, :, None, None, :], axis=-1)
    D_mu = jnp.linspace(D_min, D_max, RBF_NUM).reshape(1, 1, 1, 1, -1)
    D_sigma = (D_max - D_min) / RBF_NUM
    RBF = jnp.exp(-(((D[..., None] - D_mu) / D_sigma) ** 2))
    return RBF.reshape(RBF.shape[0], RBF.shape[1], RBF.shape[2], -1)

def _node_rbf(X, D_min=0.0, D_max=20.0):
    D_mu = jnp.linspace(D_min, D_max, RBF_NUM).reshape(1, -1)
    D_sigma = (D_max - D_min) / RBF_NUM
    r0 = jnp.array([0, 0, 0, 0, 0, 1, 1, 1, 1, 2, 2, 2, 3, 3, 4])
    r1 = jnp.array([1, 2, 3, 4, 5, 2, 3, 4, 5, 3, 4, 5, 4, 5, 5])
    D = jnp.linalg.norm(X[:, :, r0] - X[:, :, r1], axis=-1)
    out = jnp.exp(-(((D[..., None] - D_mu) / D_sigma) ** 2))
    return out.reshape(out.shape[0], out.shape[1], -1)

def _node_angle(X, mask, eps=1e-7):
    Bsz = X.shape[0]
    Xr = X[:, :, :3].reshape(Bsz, 3 * X.shape[1], 3)
    dX = Xr[:, 1:] - Xr[:, :-1]
    U = _normalize(dX)
    u_2 = U[:, :-2]; u_1 = U[:, 1:-1]; u_0 = U[:, 2:]
    n_2 = _normalize(jnp.cross(u_2, u_1))
    n_1 = _normalize(jnp.cross(u_1, u_0))
    cosD = jnp.clip(jnp.sum(n_2 * n_1, -1), -1 + eps, 1 - eps)
    D = jnp.sign(jnp.sum(u_2 * n_1, -1)) * jnp.arccos(cosD)
    D = jnp.pad(D, ((0, 0), (1, 2)))
    D = D.reshape(Bsz, -1, 3)
    dihedral = jnp.concatenate([jnp.cos(D), jnp.sin(D)], axis=-1)
    cosD2 = jnp.clip(jnp.sum(u_2 * u_1, -1), -1 + eps, 1 - eps)
    D2 = jnp.arccos(cosD2)
    D2 = jnp.pad(D2, ((0, 0), (1, 2)))
    D2 = D2.reshape(Bsz, -1, 3)
    bond_angles = jnp.concatenate([jnp.cos(D2), jnp.sin(D2)], axis=-1)
    node_angles = jnp.concatenate([dihedral, bond_angles], axis=-1)
    last = (jnp.sum(mask, axis=-1) - 1).astype(jnp.int32)
    node_angles = node_angles.at[jnp.arange(Bsz), last].set(0.0)
    return node_angles

def _node_direct(X, edge_index):
    A_n = X[:, :, 0]; A_ca = X[:, :, 1]; A_c = X[:, :, 2]
    u = _normalize(A_n - A_ca)
    v = _normalize(A_ca - A_c)
    b = _normalize(u - v)
    n = _normalize(jnp.cross(u, v))
    local_frame = jnp.stack([b, n, jnp.cross(b, n)], axis=-1)
    t = _normalize(X[:, :, jnp.array([0, 2, 3, 4, 5])] - A_ca[:, :, None, :])
    node_direct = jnp.matmul(t, local_frame).reshape(t.shape[0], t.shape[1], -1)
    X_neigh = _gather_nodes(X, edge_index)
    t2 = _normalize(X_neigh - A_ca[:, :, None, None, :])
    edge_direction = jnp.matmul(t2, local_frame[:, :, None]).reshape(t2.shape[0], t2.shape[1], t2.shape[2], -1)
    return node_direct, edge_direction

def _edge_orientations(X, E_idx, eps=1e-6):
    dX = X[:, 1:, :] - X[:, :-1, :]
    U = _normalize(dX)
    u_2 = U[:, :-2, :]; u_1 = U[:, 1:-1, :]
    n_2 = _normalize(jnp.cross(u_2, u_1))
    o_1 = _normalize(u_2 - u_1)
    O = jnp.stack([o_1, n_2, jnp.cross(o_1, n_2)], axis=2)
    O = O.reshape(O.shape[0], O.shape[1], 9)
    O = jnp.pad(O, ((0, 0), (1, 2), (0, 0)))
    O_neighbors = _gather_nodes(O, E_idx)
    X_neighbors = _gather_nodes(X, E_idx)
    O = O.reshape(O.shape[0], O.shape[1], 3, 3)
    O_neighbors = O_neighbors.reshape(O_neighbors.shape[0], O_neighbors.shape[1], O_neighbors.shape[2], 3, 3)
    dXn = X_neighbors - X[:, :, None, :]
    dU = jnp.matmul(O[:, :, None], dXn[..., None])[..., 0]
    dU = _normalize(dU)
    R = jnp.matmul(jnp.swapaxes(O[:, :, None], -1, -2), O_neighbors)
    Q = _quaternions(R)
    return jnp.concatenate([dU, Q], axis=-1)

def setup_inputs(seed: int = 0):
    key = jax.random.key(seed)
    ks = jax.random.split(key, 4)
    xyz = jax.random.normal(ks[0], (B, L, 6, 3), dtype=jnp.float32)
    mask = jnp.ones((B, L), dtype=jnp.float32)
    edge_in = RBF_NUM * 6 + 25
    node_in = RBF_NUM * 15 + 27
    W_edge = jax.random.normal(ks[1], (edge_in, NUM_HIDDEN), dtype=jnp.float32) / np.sqrt(edge_in)
    b_edge = jnp.zeros((NUM_HIDDEN,), dtype=jnp.float32)
    g_edge = jnp.ones((NUM_HIDDEN,), dtype=jnp.float32)
    be_edge = jnp.zeros((NUM_HIDDEN,), dtype=jnp.float32)
    W_node = jax.random.normal(ks[2], (node_in, NUM_HIDDEN), dtype=jnp.float32) / np.sqrt(node_in)
    b_node = jnp.zeros((NUM_HIDDEN,), dtype=jnp.float32)
    g_node = jnp.ones((NUM_HIDDEN,), dtype=jnp.float32)
    be_node = jnp.zeros((NUM_HIDDEN,), dtype=jnp.float32)
    return {"xyz": xyz, "mask": mask, "W_edge": W_edge, "b_edge": b_edge, "g_edge": g_edge, "be_edge": be_edge, "W_node": W_node, "b_node": b_node, "g_node": g_node, "be_node": be_node}

def reference(xyz, mask, W_edge, b_edge, g_edge, be_edge, W_node, b_node, g_node, be_node):
    CaX = xyz[:, :, 1]
    edge_index = _distance(CaX, mask, TOP_K)
    node_angle = _node_angle(xyz, mask)
    node_dir, edge_dir = _node_direct(xyz, edge_index)
    node_rbf = _node_rbf(xyz)
    geo_node_feat = jnp.concatenate([node_dir, node_angle, node_rbf], axis=-1)
    edge_rbf = _edge_rbf(xyz, edge_index)
    edge_ori = _edge_orientations(CaX, edge_index)
    geo_edge_feat = jnp.concatenate([edge_dir, edge_ori, edge_rbf], axis=-1)
    node = _layer_norm(jnp.matmul(geo_node_feat, W_node) + b_node, g_node, be_node)
    edge = _layer_norm(jnp.matmul(geo_edge_feat, W_edge) + b_edge, g_edge, be_edge)
    return (node, edge, edge_index)

if __name__ == "__main__":
    import jax
    _d = setup_inputs()
    print(jax.jit(kernel)(*tuple(_d.values())))

</pallas_src>

<mosaic_0001>
module attributes {stable_mosaic.version = 14 : i64} {
  func.func @_topk_body(%arg0: i32, %arg1: i32, %arg2: memref<1x1024x3xf32, #tpu.memory_space<vmem>>, %arg3: memref<1x3x128xf32, #tpu.memory_space<vmem>>, %arg4: memref<32x128xi32, #tpu.memory_space<vmem>>) attributes {dimension_semantics = [#tpu.dimension_semantics<arbitrary>, #tpu.dimension_semantics<arbitrary>], iteration_bounds = array<i64: 8, 8>, scalar_prefetch = 0 : i64, scratch_operands = 0 : i64, tpu.core_type = #tpu.core_type<tc>, window_params = [{transform_indices = @transform_0, window_bounds = array<i64: 1, 1024, 3>}, {transform_indices = @transform_1, window_bounds = array<i64: 1, 3, 128>}, {transform_indices = @transform_2, window_bounds = array<i64: 32, 128>}]} {
    %get3A = arith.constant 0 : index
    %get3A_0 = arith.constant 0 : index
    %get3A_1 = arith.constant 0 : index
    %get3A_2 = vector.load %arg2[%get3A, %get3A_0, %get3A_1] : memref<1x1024x3xf32, #tpu.memory_space<vmem>>, vector<1x1024x3xf32>
    %get3A_3 = vector.shape_cast %get3A_2 : vector<1x1024x3xf32> to vector<1024x3xf32>
    %get3A_4 = arith.constant 0 : index
    %get3A_5 = arith.constant 0 : index
    %get3A_6 = arith.constant 0 : index
    %get3A_7 = vector.load %arg3[%get3A_4, %get3A_5, %get3A_6] : memref<1x3x128xf32, #tpu.memory_space<vmem>>, vector<1x3x128xf32>
    %get3A_8 = vector.shape_cast %get3A_7 : vector<1x3x128xf32> to vector<3x128xf32>
    %slice3A = vector.extract_strided_slice %get3A_3 {offsets = [0, 0], sizes = [1024, 1], strides = [1, 1]} : vector<1024x3xf32> to vector<1024x1xf32>
    %slice3A_9 = vector.extract_strided_slice %get3A_8 {offsets = [0, 0], sizes = [1, 128], strides = [1, 1]} : vector<3x128xf32> to vector<1x128xf32>
    %sub3A = vector.broadcast %slice3A : vector<1024x1xf32> to vector<1024x128xf32>
    %sub3A_10 = vector.broadcast %slice3A_9 : vector<1x128xf32> to vector<1024x128xf32>
    %sub3A_11 = arith.subf %sub3A, %sub3A_10 : vector<1024x128xf32>
    %slice3A_12 = vector.extract_strided_slice %get3A_3 {offsets = [0, 1], sizes = [1024, 1], strides = [1, 1]} : vector<1024x3xf32> to vector<1024x1xf32>
    %slice3A_13 = vector.extract_strided_slice %get3A_8 {offsets = [1, 0], sizes = [1, 128], strides = [1, 1]} : vector<3x128xf32> to vector<1x128xf32>
    %sub3A_14 = vector.broadcast %slice3A_12 : vector<1024x1xf32> to vector<1024x128xf32>
    %sub3A_15 = vector.broadcast %slice3A_13 : vector<1x128xf32> to vector<1024x128xf32>
    %sub3A_16 = arith.subf %sub3A_14, %sub3A_15 : vector<1024x128xf32>
    %slice3A_17 = vector.extract_strided_slice %get3A_3 {offsets = [0, 2], sizes = [1024, 1], strides = [1, 1]} : vector<1024x3xf32> to vector<1024x1xf32>
    %slice3A_18 = vector.extract_strided_slice %get3A_8 {offsets = [2, 0], sizes = [1, 128], strides = [1, 1]} : vector<3x128xf32> to vector<1x128xf32>
    %sub3A_19 = vector.broadcast %slice3A_17 : vector<1024x1xf32> to vector<1024x128xf32>
    %sub3A_20 = vector.broadcast %slice3A_18 : vector<1x128xf32> to vector<1024x128xf32>
    %sub3A_21 = arith.subf %sub3A_19, %sub3A_20 : vector<1024x128xf32>
    %mul3A = arith.mulf %sub3A_11, %sub3A_11 : vector<1024x128xf32>
    %mul3A_22 = arith.mulf %sub3A_16, %sub3A_16 : vector<1024x128xf32>
    %add3A = arith.addf %mul3A, %mul3A_22 : vector<1024x128xf32>
    %mul3A_23 = arith.mulf %sub3A_21, %sub3A_21 : vector<1024x128xf32>
    %add3A_24 = arith.addf %add3A, %mul3A_23 : vector<1024x128xf32>
    %add3A_25 = arith.constant 9.99999997E-7 : f32
    %add3A_26 = vector.broadcast %add3A_25 : f32 to vector<1024x128xf32>
    %add3A_27 = arith.addf %add3A_24, %add3A_26 : vector<1024x128xf32>
    %sqrt3A = math.sqrt %add3A_27 : vector<1024x128xf32>
    %iota3A = tpu.iota {dimensions = array<i32: 0>} : vector<1024x128xi32>
    %scan3A = arith.constant 0 : i32
    %scan3A_28 = arith.constant 30 : i32
    %scan3A_29 = arith.addi %scan3A, %scan3A_28 : i32
    %scan3A_30 = arith.constant 1 : i32
    %scan3A_31 = scf.for %scan3A_33 = %scan3A to %scan3A_29 step %scan3A_30 iter_args(%scan3A_34 = %sqrt3A) -> (vector<1024x128xf32>)  : i32 {
      %reduce_min3A = arith.constant dense<0x7F800000> : vector<128xf32>
      %reduce_min3A_35 = vector.multi_reduction <minimumf>, %scan3A_34, %reduce_min3A [0] : vector<1024x128xf32> to vector<128xf32>
      %broadcast_in_dim3A = vector.shape_cast %reduce_min3A_35 : vector<128xf32> to vector<1x128xf32>
      %eq3A = vector.broadcast %broadcast_in_dim3A : vector<1x128xf32> to vector<1024x128xf32>
      %eq3A_36 = arith.cmpf oeq, %scan3A_34, %eq3A : vector<1024x128xf32>
      %jit3A = arith.constant 2047 : i32
      %broadcast_in_dim3A_37 = vector.broadcast %jit3A : i32 to vector<1024x128xi32>
      %select_n3A = arith.select %eq3A_36, %iota3A, %broadcast_in_dim3A_37 : vector<1024x128xi1>, vector<1024x128xi32>
      %reduce_min3A_38 = arith.constant dense<2147483647> : vector<128xi32>
      %reduce_min3A_39 = vector.multi_reduction <minsi>, %select_n3A, %reduce_min3A_38 [0] : vector<1024x128xi32> to vector<128xi32>
      %broadcast_in_dim3A_40 = vector.shape_cast %reduce_min3A_39 : vector<128xi32> to vector<1x128xi32>
      %swap3A = arith.index_cast %scan3A_33 : i32 to index
      %swap3A_41 = arith.constant 0 : index
      %swap3A_42 = vector.load %arg4[%swap3A, %swap3A_41] : memref<32x128xi32, #tpu.memory_space<vmem>>, vector<1x128xi32>
      tpu.vector_store %arg4[%swap3A, %swap3A_41], %broadcast_in_dim3A_40 {strides = array<i32>} : memref<32x128xi32, #tpu.memory_space<vmem>>, vector<1x128xi32>,
      %eq3A_43 = vector.broadcast %broadcast_in_dim3A_40 : vector<1x128xi32> to vector<1024x128xi32>
      %eq3A_44 = arith.cmpi eq, %iota3A, %eq3A_43 : vector<1024x128xi32>
      %jit3A_45 = arith.constant 0x7F800000 : f32
      %broadcast_in_dim3A_46 = vector.broadcast %jit3A_45 : f32 to vector<1024x128xf32>
      %select_n3A_47 = arith.select %eq3A_44, %broadcast_in_dim3A_46, %scan3A_34 : vector<1024x128xi1>, vector<1024x128xf32>
      scf.yield %select_n3A_47 : vector<1024x128xf32>
    }
    %scan3A_32 = arith.constant 30 : i32
    return
  }
  func.func @transform_0(%arg0: i32, %arg1: i32) -> (i32, i32, i32) {
    %c0_i32 = arith.constant 0 : i32
    %c0_i32_0 = arith.constant 0 : i32
    %c0_i32_1 = arith.constant 0 : i32
    return %arg0, %c0_i32, %c0_i32_0 : i32, i32, i32
  }
  func.func @transform_1(%arg0: i32, %arg1: i32) -> (i32, i32, i32) {
    %c0_i32 = arith.constant 0 : i32
    %c0_i32_0 = arith.constant 0 : i32
    return %arg0, %c0_i32, %arg1 : i32, i32, i32
  }
  func.func @transform_2(%arg0: i32, %arg1: i32) -> (i32, i32) {
    %mul3A = arith.constant 8 : i32
    %mul3A_0 = arith.muli %arg0, %mul3A : i32
    %add3A = arith.addi %mul3A_0, %arg1 : i32
    %c0_i32 = arith.constant 0 : i32
    %c0_i32_1 = arith.constant 0 : i32
    return %add3A, %c0_i32 : i32, i32
  }
}

module attributes {stable_mosaic.version = 14 : i64} {
  func.func @_edge_body(%arg0: i32, %arg1: i32, %arg2: memref<1x27x512xf32, #tpu.memory_space<vmem>>, %arg3: memref<1x21x512xf32, #tpu.memory_space<vmem>>, %arg4: memref<1x3x512xf32, #tpu.memory_space<vmem>>, %arg5: memref<128x128xf32, #tpu.memory_space<vmem>>, %arg6: memref<128x1xf32, #tpu.memory_space<vmem>>, %arg7: memref<128x1xf32, #tpu.memory_space<vmem>>, %arg8: memref<128x1xf32, #tpu.memory_space<vmem>>, %arg9: memref<1x128x512xf32, #tpu.memory_space<vmem>>) attributes {dimension_semantics = [#tpu.dimension_semantics<arbitrary>, #tpu.dimension_semantics<arbitrary>], iteration_bounds = array<i64: 8, 60>, scalar_prefetch = 0 : i64, scratch_operands = 0 : i64, tpu.core_type = #tpu.core_type<tc>, window_params = [{transform_indices = @transform_0, window_bounds = array<i64: 1, 27, 512>}, {transform_indices = @transform_1, window_bounds = array<i64: 1, 21, 512>}, {transform_indices = @transform_2, window_bounds = array<i64: 1, 3, 512>}, {pipeline_mode = #tpu.pipeline_mode<synchronous>, transform_indices = @transform_3, window_bounds = array<i64: 128, 128>}, {pipeline_mode = #tpu.pipeline_mode<synchronous>, transform_indices = @transform_4, window_bounds = array<i64: 128, 1>}, {pipeline_mode = #tpu.pipeline_mode<synchronous>, transform_indices = @transform_5, window_bounds = array<i64: 128, 1>}, {pipeline_mode = #tpu.pipeline_mode<synchronous>, transform_indices = @transform_6, window_bounds = array<i64: 128, 1>}, {transform_indices = @transform_7, window_bounds = array<i64: 1, 128, 512>}]} {
    %get3A = arith.constant 0 : index
    %get3A_0 = arith.constant 0 : index
    %get3A_1 = arith.constant 0 : index
    %get3A_2 = vector.load %arg2[%get3A, %get3A_0, %get3A_1] : memref<1x27x512xf32, #tpu.memory_space<vmem>>, vector<1x27x512xf32>
    %get3A_3 = vector.shape_cast %get3A_2 : vector<1x27x512xf32> to vector<27x512xf32>
    %get3A_4 = arith.constant 0 : index
    %get3A_5 = arith.constant 0 : index
    %get3A_6 = arith.constant 0 : index
    %get3A_7 = vector.load %arg3[%get3A_4, %get3A_5, %get3A_6] : memref<1x21x512xf32, #tpu.memory_space<vmem>>, vector<1x21x512xf32>
    %get3A_8 = vector.shape_cast %get3A_7 : vector<1x21x512xf32> to vector<21x512xf32>
    %slice3A = vector.extract_strided_slice %get3A_3 {offsets = [0, 0], sizes = [1, 512], strides = [1, 1]} : vector<27x512xf32> to vector<1x512xf32>
    %slice3A_9 = vector.extract_strided_slice %get3A_8 {offsets = [0, 0], sizes = [1, 512], strides = [1, 1]} : vector<21x512xf32> to vector<1x512xf32>
    %sub3A = arith.subf %slice3A, %slice3A_9 : vector<1x512xf32>
    %slice3A_10 = vector.extract_strided_slice %get3A_3 {offsets = [1, 0], sizes = [1, 512], strides = [1, 1]} : vector<27x512xf32> to vector<1x512xf32>
    %slice3A_11 = vector.extract_strided_slice %get3A_8 {offsets = [1, 0], sizes = [1, 512], strides = [1, 1]} : vector<21x512xf32> to vector<1x512xf32>
    %sub3A_12 = arith.subf %slice3A_10, %slice3A_11 : vector<1x512xf32>
    %slice3A_13 = vector.extract_strided_slice %get3A_3 {offsets = [2, 0], sizes = [1, 512], strides = [1, 1]} : vector<27x512xf32> to vector<1x512xf32>
    %slice3A_14 = vector.extract_strided_slice %get3A_8 {offsets = [2, 0], sizes = [1, 512], strides = [1, 1]} : vector<21x512xf32> to vector<1x512xf32>
    %sub3A_15 = arith.subf %slice3A_13, %slice3A_14 : vector<1x512xf32>
    %slice3A_16 = vector.extract_strided_slice %get3A_3 {offsets = [3, 0], sizes = [1, 512], strides = [1, 1]} : vector<27x512xf32> to vector<1x512xf32>
    %slice3A_17 = vector.extract_strided_slice %get3A_8 {offsets = [0, 0], sizes = [1, 512], strides = [1, 1]} : vector<21x512xf32> to vector<1x512xf32>
    %sub3A_18 = arith.subf %slice3A_16, %slice3A_17 : vector<1x512xf32>
    %slice3A_19 = vector.extract_strided_slice %get3A_3 {offsets = [4, 0], sizes = [1, 512], strides = [1, 1]} : vector<27x512xf32> to vector<1x512xf32>
    %slice3A_20 = vector.extract_strided_slice %get3A_8 {offsets = [1, 0], sizes = [1, 512], strides = [1, 1]} : vector<21x512xf32> to vector<1x512xf32>
    %sub3A_21 = arith.subf %slice3A_19, %slice3A_20 : vector<1x512xf32>
    %slice3A_22 = vector.extract_strided_slice %get3A_3 {offsets = [5, 0], sizes = [1, 512], strides = [1, 1]} : vector<27x512xf32> to vector<1x512xf32>
    %slice3A_23 = vector.extract_strided_slice %get3A_8 {offsets = [2, 0], sizes = [1, 512], strides = [1, 1]} : vector<21x512xf32> to vector<1x512xf32>
    %sub3A_24 = arith.subf %slice3A_22, %slice3A_23 : vector<1x512xf32>
    %slice3A_25 = vector.extract_strided_slice %get3A_3 {offsets = [6, 0], sizes = [1, 512], strides = [1, 1]} : vector<27x512xf32> to vector<1x512xf32>
    %slice3A_26 = vector.extract_strided_slice %get3A_8 {offsets = [0, 0], sizes = [1, 512], strides = [1, 1]} : vector<21x512xf32> to vector<1x512xf32>
    %sub3A_27 = arith.subf %slice3A_25, %slice3A_26 : vector<1x512xf32>
    %slice3A_28 = vector.extract_strided_slice %get3A_3 {offsets = [7, 0], sizes = [1, 512], strides = [1, 1]} : vector<27x512xf32> to vector<1x512xf32>
    %slice3A_29 = vector.extract_strided_slice %get3A_8 {offsets = [1, 0], sizes = [1, 512], strides = [1, 1]} : vector<21x512xf32> to vector<1x512xf32>
    %sub3A_30 = arith.subf %slice3A_28, %slice3A_29 : vector<1x512xf32>
    %slice3A_31 = vector.extract_strided_slice %get3A_3 {offsets = [8, 0], sizes = [1, 512], strides = [1, 1]} : vector<27x512xf32> to vector<1x512xf32>
    %slice3A_32 = vector.extract_strided_slice %get3A_8 {offsets = [2, 0], sizes = [1, 512], strides = [1, 1]} : vector<21x512xf32> to vector<1x512xf32>
    %sub3A_33 = arith.subf %slice3A_31, %slice3A_32 : vector<1x512xf32>
    %slice3A_34 = vector.extract_strided_slice %get3A_3 {offsets = [9, 0], sizes = [1, 512], strides = [1, 1]} : vector<27x512xf32> to vector<1x512xf32>
    %slice3A_35 = vector.extract_strided_slice %get3A_8 {offsets = [0, 0], sizes = [1, 512], strides = [1, 1]} : vector<21x512xf32> to vector<1x512xf32>
    %sub3A_36 = arith.subf %slice3A_34, %slice3A_35 : vector<1x512xf32>
    %slice3A_37 = vector.extract_strided_slice %get3A_3 {offsets = [10, 0], sizes = [1, 512], strides = [1, 1]} : vector<27x512xf32> to vector<1x512xf32>
    %slice3A_38 = vector.extract_strided_slice %get3A_8 {offsets = [1, 0], sizes = [1, 512], strides = [1, 1]} : vector<21x512xf32> to vector<1x512xf32>
    %sub3A_39 = arith.subf %slice3A_37, %slice3A_38 : vector<1x512xf32>
    %slice3A_40 = vector.extract_strided_slice %get3A_3 {offsets = [11, 0], sizes = [1, 512], strides = [1, 1]} : vector<27x512xf32> to vector<1x512xf32>
    %slice3A_41 = vector.extract_strided_slice %get3A_8 {offsets = [2, 0], sizes = [1, 512], strides = [1, 1]} : vector<21x512xf32> to vector<1x512xf32>
    %sub3A_42 = arith.subf %slice3A_40, %slice3A_41 : vector<1x512xf32>
    %slice3A_43 = vector.extract_strided_slice %get3A_3 {offsets = [12, 0], sizes = [1, 512], strides = [1, 1]} : vector<27x512xf32> to vector<1x512xf32>
    %slice3A_44 = vector.extract_strided_slice %get3A_8 {offsets = [0, 0], sizes = [1, 512], strides = [1, 1]} : vector<21x512xf32> to vector<1x512xf32>
    %sub3A_45 = arith.subf %slice3A_43, %slice3A_44 : vector<1x512xf32>
    %slice3A_46 = vector.extract_strided_slice %get3A_3 {offsets = [13, 0], sizes = [1, 512], strides = [1, 1]} : vector<27x512xf32> to vector<1x512xf32>
    %slice3A_47 = vector.extract_strided_slice %get3A_8 {offsets = [1, 0], sizes = [1, 512], strides = [1, 1]} : vector<21x512xf32> to vector<1x512xf32>
    %sub3A_48 = arith.subf %slice3A_46, %slice3A_47 : vector<1x512xf32>
    %slice3A_49 = vector.extract_strided_slice %get3A_3 {offsets = [14, 0], sizes = [1, 512], strides = [1, 1]} : vector<27x512xf32> to vector<1x512xf32>
    %slice3A_50 = vector.extract_strided_slice %get3A_8 {offsets = [2, 0], sizes = [1, 512], strides = [1, 1]} : vector<21x512xf32> to vector<1x512xf32>
    %sub3A_51 = arith.subf %slice3A_49, %slice3A_50 : vector<1x512xf32>
    %slice3A_52 = vector.extract_strided_slice %get3A_3 {offsets = [15, 0], sizes = [1, 512], strides = [1, 1]} : vector<27x512xf32> to vector<1x512xf32>
    %slice3A_53 = vector.extract_strided_slice %get3A_8 {offsets = [0, 0], sizes = [1, 512], strides = [1, 1]} : vector<21x512xf32> to vector<1x512xf32>
    %sub3A_54 = arith.subf %slice3A_52, %slice3A_53 : vector<1x512xf32>
    %slice3A_55 = vector.extract_strided_slice %get3A_3 {offsets = [16, 0], sizes = [1, 512], strides = [1, 1]} : vector<27x512xf32> to vector<1x512xf32>
    %slice3A_56 = vector.extract_strided_slice %get3A_8 {offsets = [1, 0], sizes = [1, 512], strides = [1, 1]} : vector<21x512xf32> to vector<1x512xf32>
    %sub3A_57 = arith.subf %slice3A_55, %slice3A_56 : vector<1x512xf32>
    %slice3A_58 = vector.extract_strided_slice %get3A_3 {offsets = [17, 0], sizes = [1, 512], strides = [1, 1]} : vector<27x512xf32> to vector<1x512xf32>
    %slice3A_59 = vector.extract_strided_slice %get3A_8 {offsets = [2, 0], sizes = [1, 512], strides = [1, 1]} : vector<21x512xf32> to vector<1x512xf32>
    %sub3A_60 = arith.subf %slice3A_58, %slice3A_59 : vector<1x512xf32>
    %mul3A = arith.mulf %sub3A, %sub3A : vector<1x512xf32>
    %mul3A_61 = arith.mulf %sub3A_12, %sub3A_12 : vector<1x512xf32>
    %add3A = arith.addf %mul3A, %mul3A_61 : vector<1x512xf32>
    %mul3A_62 = arith.mulf %sub3A_15, %sub3A_15 : vector<1x512xf32>
    %add3A_63 = arith.addf %add3A, %mul3A_62 : vector<1x512xf32>
    %sqrt3A = math.sqrt %add3A_63 : vector<1x512xf32>
    %mul3A_64 = arith.mulf %sub3A_18, %sub3A_18 : vector<1x512xf32>
    %mul3A_65 = arith.mulf %sub3A_21, %sub3A_21 : vector<1x512xf32>
    %add3A_66 = arith.addf %mul3A_64, %mul3A_65 : vector<1x512xf32>
    %mul3A_67 = arith.mulf %sub3A_24, %sub3A_24 : vector<1x512xf32>
    %add3A_68 = arith.addf %add3A_66, %mul3A_67 : vector<1x512xf32>
    %sqrt3A_69 = math.sqrt %add3A_68 : vector<1x512xf32>
    %mul3A_70 = arith.mulf %sub3A_27, %sub3A_27 : vector<1x512xf32>
    %mul3A_71 = arith.mulf %sub3A_30, %sub3A_30 : vector<1x512xf32>
    %add3A_72 = arith.addf %mul3A_70, %mul3A_71 : vector<1x512xf32>
    %mul3A_73 = arith.mulf %sub3A_33, %sub3A_33 : vector<1x512xf32>
    %add3A_74 = arith.addf %add3A_72, %mul3A_73 : vector<1x512xf32>
    %sqrt3A_75 = math.sqrt %add3A_74 : vector<1x512xf32>
    %mul3A_76 = arith.mulf %sub3A_36, %sub3A_36 : vector<1x512xf32>
    %mul3A_77 = arith.mulf %sub3A_39, %sub3A_39 : vector<1x512xf32>
    %add3A_78 = arith.addf %mul3A_76, %mul3A_77 : vector<1x512xf32>
    %mul3A_79 = arith.mulf %sub3A_42, %sub3A_42 : vector<1x512xf32>
    %add3A_80 = arith.addf %add3A_78, %mul3A_79 : vector<1x512xf32>
    %sqrt3A_81 = math.sqrt %add3A_80 : vector<1x512xf32>
    %mul3A_82 = arith.mulf %sub3A_45, %sub3A_45 : vector<1x512xf32>
    %mul3A_83 = arith.mulf %sub3A_48, %sub3A_48 : vector<1x512xf32>
    %add3A_84 = arith.addf %mul3A_82, %mul3A_83 : vector<1x512xf32>
    %mul3A_85 = arith.mulf %sub3A_51, %sub3A_51 : vector<1x512xf32>
    %add3A_86 = arith.addf %add3A_84, %mul3A_85 : vector<1x512xf32>
    %sqrt3A_87 = math.sqrt %add3A_86 : vector<1x512xf32>
    %mul3A_88 = arith.mulf %sub3A_54, %sub3A_54 : vector<1x512xf32>
    %mul3A_89 = arith.mulf %sub3A_57, %sub3A_57 : vector<1x512xf32>
    %add3A_90 = arith.addf %mul3A_88, %mul3A_89 : vector<1x512xf32>
    %mul3A_91 = arith.mulf %sub3A_60, %sub3A_60 : vector<1x512xf32>
    %add3A_92 = arith.addf %add3A_90, %mul3A_91 : vector<1x512xf32>
    %sqrt3A_93 = math.sqrt %add3A_92 : vector<1x512xf32>
    %max3A = arith.constant 9.99999996E-13 : f32
    %max3A_94 = vector.broadcast %max3A : f32 to vector<1x512xf32>
    %max3A_95 = arith.maximumf %sqrt3A, %max3A_94 : vector<1x512xf32>
    %div3A = arith.divf %sub3A, %max3A_95 : vector<1x512xf32>
    %max3A_96 = arith.constant 9.99999996E-13 : f32
    %max3A_97 = vector.broadcast %max3A_96 : f32 to vector<1x512xf32>
    %max3A_98 = arith.maximumf %sqrt3A, %max3A_97 : vector<1x512xf32>
    %div3A_99 = arith.divf %sub3A_12, %max3A_98 : vector<1x512xf32>
    %max3A_100 = arith.constant 9.99999996E-13 : f32
    %max3A_101 = vector.broadcast %max3A_100 : f32 to vector<1x512xf32>
    %max3A_102 = arith.maximumf %sqrt3A, %max3A_101 : vector<1x512xf32>
    %div3A_103 = arith.divf %sub3A_15, %max3A_102 : vector<1x512xf32>
    %max3A_104 = arith.constant 9.99999996E-13 : f32
    %max3A_105 = vector.broadcast %max3A_104 : f32 to vector<1x512xf32>
    %max3A_106 = arith.maximumf %sqrt3A_69, %max3A_105 : vector<1x512xf32>
    %div3A_107 = arith.divf %sub3A_18, %max3A_106 : vector<1x512xf32>
    %max3A_108 = arith.constant 9.99999996E-13 : f32
    %max3A_109 = vector.broadcast %max3A_108 : f32 to vector<1x512xf32>
    %max3A_110 = arith.maximumf %sqrt3A_69, %max3A_109 : vector<1x512xf32>
    %div3A_111 = arith.divf %sub3A_21, %max3A_110 : vector<1x512xf32>
    %max3A_112 = arith.constant 9.99999996E-13 : f32
    %max3A_113 = vector.broadcast %max3A_112 : f32 to vector<1x512xf32>
    %max3A_114 = arith.maximumf %sqrt3A_69, %max3A_113 : vector<1x512xf32>
    %div3A_115 = arith.divf %sub3A_24, %max3A_114 : vector<1x512xf32>
    %max3A_116 = arith.constant 9.99999996E-13 : f32
    %max3A_117 = vector.broadcast %max3A_116 : f32 to vector<1x512xf32>
    %max3A_118 = arith.maximumf %sqrt3A_75, %max3A_117 : vector<1x512xf32>
    %div3A_119 = arith.divf %sub3A_27, %max3A_118 : vector<1x512xf32>
    %max3A_120 = arith.constant 9.99999996E-13 : f32
    %max3A_121 = vector.broadcast %max3A_120 : f32 to vector<1x512xf32>
    %max3A_122 = arith.maximumf %sqrt3A_75, %max3A_121 : vector<1x512xf32>
    %div3A_123 = arith.divf %sub3A_30, %max3A_122 : vector<1x512xf32>
    %max3A_124 = arith.constant 9.99999996E-13 : f32
    %max3A_125 = vector.broadcast %max3A_124 : f32 to vector<1x512xf32>
    %max3A_126 = arith.maximumf %sqrt3A_75, %max3A_125 : vector<1x512xf32>
    %div3A_127 = arith.divf %sub3A_33, %max3A_126 : vector<1x512xf32>
    %max3A_128 = arith.constant 9.99999996E-13 : f32
    %max3A_129 = vector.broadcast %max3A_128 : f32 to vector<1x512xf32>
    %max3A_130 = arith.maximumf %sqrt3A_81, %max3A_129 : vector<1x512xf32>
    %div3A_131 = arith.divf %sub3A_36, %max3A_130 : vector<1x512xf32>
    %max3A_132 = arith.constant 9.99999996E-13 : f32
    %max3A_133 = vector.broadcast %max3A_132 : f32 to vector<1x512xf32>
    %max3A_134 = arith.maximumf %sqrt3A_81, %max3A_133 : vector<1x512xf32>
    %div3A_135 = arith.divf %sub3A_39, %max3A_134 : vector<1x512xf32>
    %max3A_136 = arith.constant 9.99999996E-13 : f32
    %max3A_137 = vector.broadcast %max3A_136 : f32 to vector<1x512xf32>
    %max3A_138 = arith.maximumf %sqrt3A_81, %max3A_137 : vector<1x512xf32>
    %div3A_139 = arith.divf %sub3A_42, %max3A_138 : vector<1x512xf32>
    %max3A_140 = arith.constant 9.99999996E-13 : f32
    %max3A_141 = vector.broadcast %max3A_140 : f32 to vector<1x512xf32>
    %max3A_142 = arith.maximumf %sqrt3A_87, %max3A_141 : vector<1x512xf32>
    %div3A_143 = arith.divf %sub3A_45, %max3A_142 : vector<1x512xf32>
    %max3A_144 = arith.constant 9.99999996E-13 : f32
    %max3A_145 = vector.broadcast %max3A_144 : f32 to vector<1x512xf32>
    %max3A_146 = arith.maximumf %sqrt3A_87, %max3A_145 : vector<1x512xf32>
    %div3A_147 = arith.divf %sub3A_48, %max3A_146 : vector<1x512xf32>
    %max3A_148 = arith.constant 9.99999996E-13 : f32
    %max3A_149 = vector.broadcast %max3A_148 : f32 to vector<1x512xf32>
    %max3A_150 = arith.maximumf %sqrt3A_87, %max3A_149 : vector<1x512xf32>
    %div3A_151 = arith.divf %sub3A_51, %max3A_150 : vector<1x512xf32>
    %max3A_152 = arith.constant 9.99999996E-13 : f32
    %max3A_153 = vector.broadcast %max3A_152 : f32 to vector<1x512xf32>
    %max3A_154 = arith.maximumf %sqrt3A_93, %max3A_153 : vector<1x512xf32>
    %div3A_155 = arith.divf %sub3A_54, %max3A_154 : vector<1x512xf32>
    %max3A_156 = arith.constant 9.99999996E-13 : f32
    %max3A_157 = vector.broadcast %max3A_156 : f32 to vector<1x512xf32>
    %max3A_158 = arith.maximumf %sqrt3A_93, %max3A_157 : vector<1x512xf32>
    %div3A_159 = arith.divf %sub3A_57, %max3A_158 : vector<1x512xf32>
    %max3A_160 = arith.constant 9.99999996E-13 : f32
    %max3A_161 = vector.broadcast %max3A_160 : f32 to vector<1x512xf32>
    %max3A_162 = arith.maximumf %sqrt3A_93, %max3A_161 : vector<1x512xf32>
    %div3A_163 = arith.divf %sub3A_60, %max3A_162 : vector<1x512xf32>
    %slice3A_164 = vector.extract_strided_slice %get3A_8 {offsets = [3, 0], sizes = [1, 512], strides = [1, 1]} : vector<21x512xf32> to vector<1x512xf32>
    %mul3A_165 = arith.mulf %div3A, %slice3A_164 : vector<1x512xf32>
    %slice3A_166 = vector.extract_strided_slice %get3A_8 {offsets = [4, 0], sizes = [1, 512], strides = [1, 1]} : vector<21x512xf32> to vector<1x512xf32>
    %mul3A_167 = arith.mulf %div3A_99, %slice3A_166 : vector<1x512xf32>
    %add3A_168 = arith.addf %mul3A_165, %mul3A_167 : vector<1x512xf32>
    %slice3A_169 = vector.extract_strided_slice %get3A_8 {offsets = [5, 0], sizes = [1, 512], strides = [1, 1]} : vector<21x512xf32> to vector<1x512xf32>
    %mul3A_170 = arith.mulf %div3A_103, %slice3A_169 : vector<1x512xf32>
    %add3A_171 = arith.addf %add3A_168, %mul3A_170 : vector<1x512xf32>
    %slice3A_172 = vector.extract_strided_slice %get3A_8 {offsets = [6, 0], sizes = [1, 512], strides = [1, 1]} : vector<21x512xf32> to vector<1x512xf32>
    %mul3A_173 = arith.mulf %div3A, %slice3A_172 : vector<1x512xf32>
    %slice3A_174 = vector.extract_strided_slice %get3A_8 {offsets = [7, 0], sizes = [1, 512], strides = [1, 1]} : vector<21x512xf32> to vector<1x512xf32>
    %mul3A_175 = arith.mulf %div3A_99, %slice3A_174 : vector<1x512xf32>
    %add3A_176 = arith.addf %mul3A_173, %mul3A_175 : vector<1x512xf32>
    %slice3A_177 = vector.extract_strided_slice %get3A_8 {offsets = [8, 0], sizes = [1, 512], strides = [1, 1]} : vector<21x512xf32> to vector<1x512xf32>
    %mul3A_178 = arith.mulf %div3A_103, %slice3A_177 : vector<1x512xf32>
    %add3A_179 = arith.addf %add3A_176, %mul3A_178 : vector<1x512xf32>
    %slice3A_180 = vector.extract_strided_slice %get3A_8 {offsets = [9, 0], sizes = [1, 512], strides = [1, 1]} : vector<21x512xf32> to vector<1x512xf32>
    %mul3A_181 = arith.mulf %div3A, %slice3A_180 : vector<1x512xf32>
    %slice3A_182 = vector.extract_strided_slice %get3A_8 {offsets = [10, 0], sizes = [1, 512], strides = [1, 1]} : vector<21x512xf32> to vector<1x512xf32>
    %mul3A_183 = arith.mulf %div3A_99, %slice3A_182 : vector<1x512xf32>
    %add3A_184 = arith.addf %mul3A_181, %mul3A_183 : vector<1x512xf32>
    %slice3A_185 = vector.extract_strided_slice %get3A_8 {offsets = [11, 0], sizes = [1, 512], strides = [1, 1]} : vector<21x512xf32> to vector<1x512xf32>
    %mul3A_186 = arith.mulf %div3A_103, %slice3A_185 : vector<1x512xf32>
    %add3A_187 = arith.addf %add3A_184, %mul3A_186 : vector<1x512xf32>
    %slice3A_188 = vector.extract_strided_slice %get3A_8 {offsets = [3, 0], sizes = [1, 512], strides = [1, 1]} : vector<21x512xf32> to vector<1x512xf32>
    %mul3A_189 = arith.mulf %div3A_107, %slice3A_188 : vector<1x512xf32>
    %slice3A_190 = vector.extract_strided_slice %get3A_8 {offsets = [4, 0], sizes = [1, 512], strides = [1, 1]} : vector<21x512xf32> to vector<1x512xf32>
    %mul3A_191 = arith.mulf %div3A_111, %slice3A_190 : vector<1x512xf32>
    %add3A_192 = arith.addf %mul3A_189, %mul3A_191 : vector<1x512xf32>
    %slice3A_193 = vector.extract_strided_slice %get3A_8 {offsets = [5, 0], sizes = [1, 512], strides = [1, 1]} : vector<21x512xf32> to vector<1x512xf32>
    %mul3A_194 = arith.mulf %div3A_115, %slice3A_193 : vector<1x512xf32>
    %add3A_195 = arith.addf %add3A_192, %mul3A_194 : vector<1x512xf32>
    %slice3A_196 = vector.extract_strided_slice %get3A_8 {offsets = [6, 0], sizes = [1, 512], strides = [1, 1]} : vector<21x512xf32> to vector<1x512xf32>
    %mul3A_197 = arith.mulf %div3A_107, %slice3A_196 : vector<1x512xf32>
    %slice3A_198 = vector.extract_strided_slice %get3A_8 {offsets = [7, 0], sizes = [1, 512], strides = [1, 1]} : vector<21x512xf32> to vector<1x512xf32>
    %mul3A_199 = arith.mulf %div3A_111, %slice3A_198 : vector<1x512xf32>
    %add3A_200 = arith.addf %mul3A_197, %mul3A_199 : vector<1x512xf32>
    %slice3A_201 = vector.extract_strided_slice %get3A_8 {offsets = [8, 0], sizes = [1, 512], strides = [1, 1]} : vector<21x512xf32> to vector<1x512xf32>
    %mul3A_202 = arith.mulf %div3A_115, %slice3A_201 : vector<1x512xf32>
    %add3A_203 = arith.addf %add3A_200, %mul3A_202 : vector<1x512xf32>
    %slice3A_204 = vector.extract_strided_slice %get3A_8 {offsets = [9, 0], sizes = [1, 512], strides = [1, 1]} : vector<21x512xf32> to vector<1x512xf32>
    %mul3A_205 = arith.mulf %div3A_107, %slice3A_204 : vector<1x512xf32>
    %slice3A_206 = vector.extract_strided_slice %get3A_8 {offsets = [10, 0], sizes = [1, 512], strides = [1, 1]} : vector<21x512xf32> to vector<1x512xf32>
    %mul3A_207 = arith.mulf %div3A_111, %slice3A_206 : vector<1x512xf32>
    %add3A_208 = arith.addf %mul3A_205, %mul3A_207 : vector<1x512xf32>
    %slice3A_209 = vector.extract_strided_slice %get3A_8 {offsets = [11, 0], sizes = [1, 512], strides = [1, 1]} : vector<21x512xf32> to vector<1x512xf32>
    %mul3A_210 = arith.mulf %div3A_115, %slice3A_209 : vector<1x512xf32>
    %add3A_211 = arith.addf %add3A_208, %mul3A_210 : vector<1x512xf32>
    %slice3A_212 = vector.extract_strided_slice %get3A_8 {offsets = [3, 0], sizes = [1, 512], strides = [1, 1]} : vector<21x512xf32> to vector<1x512xf32>
    %mul3A_213 = arith.mulf %div3A_119, %slice3A_212 : vector<1x512xf32>
    %slice3A_214 = vector.extract_strided_slice %get3A_8 {offsets = [4, 0], sizes = [1, 512], strides = [1, 1]} : vector<21x512xf32> to vector<1x512xf32>
    %mul3A_215 = arith.mulf %div3A_123, %slice3A_214 : vector<1x512xf32>
    %add3A_216 = arith.addf %mul3A_213, %mul3A_215 : vector<1x512xf32>
    %slice3A_217 = vector.extract_strided_slice %get3A_8 {offsets = [5, 0], sizes = [1, 512], strides = [1, 1]} : vector<21x512xf32> to vector<1x512xf32>
    %mul3A_218 = arith.mulf %div3A_127, %slice3A_217 : vector<1x512xf32>
    %add3A_219 = arith.addf %add3A_216, %mul3A_218 : vector<1x512xf32>
    %slice3A_220 = vector.extract_strided_slice %get3A_8 {offsets = [6, 0], sizes = [1, 512], strides = [1, 1]} : vector<21x512xf32> to vector<1x512xf32>
    %mul3A_221 = arith.mulf %div3A_119, %slice3A_220 : vector<1x512xf32>
    %slice3A_222 = vector.extract_strided_slice %get3A_8 {offsets = [7, 0], sizes = [1, 512], strides = [1, 1]} : vector<21x512xf32> to vector<1x512xf32>
    %mul3A_223 = arith.mulf %div3A_123, %slice3A_222 : vector<1x512xf32>
    %add3A_224 = arith.addf %mul3A_221, %mul3A_223 : vector<1x512xf32>
    %slice3A_225 = vector.extract_strided_slice %get3A_8 {offsets = [8, 0], sizes = [1, 512], strides = [1, 1]} : vector<21x512xf32> to vector<1x512xf32>
    %mul3A_226 = arith.mulf %div3A_127, %slice3A_225 : vector<1x512xf32>
    %add3A_227 = arith.addf %add3A_224, %mul3A_226 : vector<1x512xf32>
    %slice3A_228 = vector.extract_strided_slice %get3A_8 {offsets = [9, 0], sizes = [1, 512], strides = [1, 1]} : vector<21x512xf32> to vector<1x512xf32>
    %mul3A_229 = arith.mulf %div3A_119, %slice3A_228 : vector<1x512xf32>
    %slice3A_230 = vector.extract_strided_slice %get3A_8 {offsets = [10, 0], sizes = [1, 512], strides = [1, 1]} : vector<21x512xf32> to vector<1x512xf32>
    %mul3A_231 = arith.mulf %div3A_123, %slice3A_230 : vector<1x512xf32>
    %add3A_232 = arith.addf %mul3A_229, %mul3A_231 : vector<1x512xf32>
    %slice3A_233 = vector.extract_strided_slice %get3A_8 {offsets = [11, 0], sizes = [1, 512], strides = [1, 1]} : vector<21x512xf32> to vector<1x512xf32>
    %mul3A_234 = arith.mulf %div3A_127, %slice3A_233 : vector<1x512xf32>
    %add3A_235 = arith.addf %add3A_232, %mul3A_234 : vector<1x512xf32>
    %slice3A_236 = vector.extract_strided_slice %get3A_8 {offsets = [3, 0], sizes = [1, 512], strides = [1, 1]} : vector<21x512xf32> to vector<1x512xf32>
    %mul3A_237 = arith.mulf %div3A_131, %slice3A_236 : vector<1x512xf32>
    %slice3A_238 = vector.extract_strided_slice %get3A_8 {offsets = [4, 0], sizes = [1, 512], strides = [1, 1]} : vector<21x512xf32> to vector<1x512xf32>
    %mul3A_239 = arith.mulf %div3A_135, %slice3A_238 : vector<1x512xf32>
    %add3A_240 = arith.addf %mul3A_237, %mul3A_239 : vector<1x512xf32>
    %slice3A_241 = vector.extract_strided_slice %get3A_8 {offsets = [5, 0], sizes = [1, 512], strides = [1, 1]} : vector<21x512xf32> to vector<1x512xf32>
    %mul3A_242 = arith.mulf %div3A_139, %slice3A_241 : vector<1x512xf32>
    %add3A_243 = arith.addf %add3A_240, %mul3A_242 : vector<1x512xf32>
    %slice3A_244 = vector.extract_strided_slice %get3A_8 {offsets = [6, 0], sizes = [1, 512], strides = [1, 1]} : vector<21x512xf32> to vector<1x512xf32>
    %mul3A_245 = arith.mulf %div3A_131, %slice3A_244 : vector<1x512xf32>
    %slice3A_246 = vector.extract_strided_slice %get3A_8 {offsets = [7, 0], sizes = [1, 512], strides = [1, 1]} : vector<21x512xf32> to vector<1x512xf32>
    %mul3A_247 = arith.mulf %div3A_135, %slice3A_246 : vector<1x512xf32>
    %add3A_248 = arith.addf %mul3A_245, %mul3A_247 : vector<1x512xf32>
    %slice3A_249 = vector.extract_strided_slice %get3A_8 {offsets = [8, 0], sizes = [1, 512], strides = [1, 1]} : vector<21x512xf32> to vector<1x512xf32>
    %mul3A_250 = arith.mulf %div3A_139, %slice3A_249 : vector<1x512xf32>
    %add3A_251 = arith.addf %add3A_248, %mul3A_250 : vector<1x512xf32>
    %slice3A_252 = vector.extract_strided_slice %get3A_8 {offsets = [9, 0], sizes = [1, 512], strides = [1, 1]} : vector<21x512xf32> to vector<1x512xf32>
    %mul3A_253 = arith.mulf %div3A_131, %slice3A_252 : vector<1x512xf32>
    %slice3A_254 = vector.extract_strided_slice %get3A_8 {offsets = [10, 0], sizes = [1, 512], strides = [1, 1]} : vector<21x512xf32> to vector<1x512xf32>
    %mul3A_255 = arith.mulf %div3A_135, %slice3A_254 : vector<1x512xf32>
    %add3A_256 = arith.addf %mul3A_253, %mul3A_255 : vector<1x512xf32>
    %slice3A_257 = vector.extract_strided_slice %get3A_8 {offsets = [11, 0], sizes = [1, 512], strides = [1, 1]} : vector<21x512xf32> to vector<1x512xf32>
    %mul3A_258 = arith.mulf %div3A_139, %slice3A_257 : vector<1x512xf32>
    %add3A_259 = arith.addf %add3A_256, %mul3A_258 : vector<1x512xf32>
    %slice3A_260 = vector.extract_strided_slice %get3A_8 {offsets = [3, 0], sizes = [1, 512], strides = [1, 1]} : vector<21x512xf32> to vector<1x512xf32>
    %mul3A_261 = arith.mulf %div3A_143, %slice3A_260 : vector<1x512xf32>
    %slice3A_262 = vector.extract_strided_slice %get3A_8 {offsets = [4, 0], sizes = [1, 512], strides = [1, 1]} : vector<21x512xf32> to vector<1x512xf32>
    %mul3A_263 = arith.mulf %div3A_147, %slice3A_262 : vector<1x512xf32>
    %add3A_264 = arith.addf %mul3A_261, %mul3A_263 : vector<1x512xf32>
    %slice3A_265 = vector.extract_strided_slice %get3A_8 {offsets = [5, 0], sizes = [1, 512], strides = [1, 1]} : vector<21x512xf32> to vector<1x512xf32>
    %mul3A_266 = arith.mulf %div3A_151, %slice3A_265 : vector<1x512xf32>
    %add3A_267 = arith.addf %add3A_264, %mul3A_266 : vector<1x512xf32>
    %slice3A_268 = vector.extract_strided_slice %get3A_8 {offsets = [6, 0], sizes = [1, 512], strides = [1, 1]} : vector<21x512xf32> to vector<1x512xf32>
    %mul3A_269 = arith.mulf %div3A_143, %slice3A_268 : vector<1x512xf32>
    %slice3A_270 = vector.extract_strided_slice %get3A_8 {offsets = [7, 0], sizes = [1, 512], strides = [1, 1]} : vector<21x512xf32> to vector<1x512xf32>
    %mul3A_271 = arith.mulf %div3A_147, %slice3A_270 : vector<1x512xf32>
    %add3A_272 = arith.addf %mul3A_269, %mul3A_271 : vector<1x512xf32>
    %slice3A_273 = vector.extract_strided_slice %get3A_8 {offsets = [8, 0], sizes = [1, 512], strides = [1, 1]} : vector<21x512xf32> to vector<1x512xf32>
    %mul3A_274 = arith.mulf %div3A_151, %slice3A_273 : vector<1x512xf32>
    %add3A_275 = arith.addf %add3A_272, %mul3A_274 : vector<1x512xf32>
    %slice3A_276 = vector.extract_strided_slice %get3A_8 {offsets = [9, 0], sizes = [1, 512], strides = [1, 1]} : vector<21x512xf32> to vector<1x512xf32>
    %mul3A_277 = arith.mulf %div3A_143, %slice3A_276 : vector<1x512xf32>
    %slice3A_278 = vector.extract_strided_slice %get3A_8 {offsets = [10, 0], sizes = [1, 512], strides = [1, 1]} : vector<21x512xf32> to vector<1x512xf32>
    %mul3A_279 = arith.mulf %div3A_147, %slice3A_278 : vector<1x512xf32>
    %add3A_280 = arith.addf %mul3A_277, %mul3A_279 : vector<1x512xf32>
    %slice3A_281 = vector.extract_strided_slice %get3A_8 {offsets = [11, 0], sizes = [1, 512], strides = [1, 1]} : vector<21x512xf32> to vector<1x512xf32>
    %mul3A_282 = arith.mulf %div3A_151, %slice3A_281 : vector<1x512xf32>
    %add3A_283 = arith.addf %add3A_280, %mul3A_282 : vector<1x512xf32>
    %slice3A_284 = vector.extract_strided_slice %get3A_8 {offsets = [3, 0], sizes = [1, 512], strides = [1, 1]} : vector<21x512xf32> to vector<1x512xf32>
    %mul3A_285 = arith.mulf %div3A_155, %slice3A_284 : vector<1x512xf32>
    %slice3A_286 = vector.extract_strided_slice %get3A_8 {offsets = [4, 0], sizes = [1, 512], strides = [1, 1]} : vector<21x512xf32> to vector<1x512xf32>
    %mul3A_287 = arith.mulf %div3A_159, %slice3A_286 : vector<1x512xf32>
    %add3A_288 = arith.addf %mul3A_285, %mul3A_287 : vector<1x512xf32>
    %slice3A_289 = vector.extract_strided_slice %get3A_8 {offsets = [5, 0], sizes = [1, 512], strides = [1, 1]} : vector<21x512xf32> to vector<1x512xf32>
    %mul3A_290 = arith.mulf %div3A_163, %slice3A_289 : vector<1x512xf32>
    %add3A_291 = arith.addf %add3A_288, %mul3A_290 : vector<1x512xf32>
    %slice3A_292 = vector.extract_strided_slice %get3A_8 {offsets = [6, 0], sizes = [1, 512], strides = [1, 1]} : vector<21x512xf32> to vector<1x512xf32>
    %mul3A_293 = arith.mulf %div3A_155, %slice3A_292 : vector<1x512xf32>
    %slice3A_294 = vector.extract_strided_slice %get3A_8 {offsets = [7, 0], sizes = [1, 512], strides = [1, 1]} : vector<21x512xf32> to vector<1x512xf32>
    %mul3A_295 = arith.mulf %div3A_159, %slice3A_294 : vector<1x512xf32>
    %add3A_296 = arith.addf %mul3A_293, %mul3A_295 : vector<1x512xf32>
    %slice3A_297 = vector.extract_strided_slice %get3A_8 {offsets = [8, 0], sizes = [1, 512], strides = [1, 1]} : vector<21x512xf32> to vector<1x512xf32>
    %mul3A_298 = arith.mulf %div3A_163, %slice3A_297 : vector<1x512xf32>
    %add3A_299 = arith.addf %add3A_296, %mul3A_298 : vector<1x512xf32>
    %slice3A_300 = vector.extract_strided_slice %get3A_8 {offsets = [9, 0], sizes = [1, 512], strides = [1, 1]} : vector<21x512xf32> to vector<1x512xf32>
    %mul3A_301 = arith.mulf %div3A_155, %slice3A_300 : vector<1x512xf32>
    %slice3A_302 = vector.extract_strided_slice %get3A_8 {offsets = [10, 0], sizes = [1, 512], strides = [1, 1]} : vector<21x512xf32> to vector<1x512xf32>
    %mul3A_303 = arith.mulf %div3A_159, %slice3A_302 : vector<1x512xf32>
    %add3A_304 = arith.addf %mul3A_301, %mul3A_303 : vector<1x512xf32>
    %slice3A_305 = vector.extract_strided_slice %get3A_8 {offsets = [11, 0], sizes = [1, 512], strides = [1, 1]} : vector<21x512xf32> to vector<1x512xf32>
    %mul3A_306 = arith.mulf %div3A_163, %slice3A_305 : vector<1x512xf32>
    %add3A_307 = arith.addf %add3A_304, %mul3A_306 : vector<1x512xf32>
    %get3A_308 = arith.constant 0 : index
    %get3A_309 = arith.constant 0 : index
    %get3A_310 = arith.constant 0 : index
    %get3A_311 = vector.load %arg4[%get3A_308, %get3A_309, %get3A_310] : memref<1x3x512xf32, #tpu.memory_space<vmem>>, vector<1x3x512xf32>
    %get3A_312 = vector.shape_cast %get3A_311 : vector<1x3x512xf32> to vector<3x512xf32>
    %slice3A_313 = vector.extract_strided_slice %get3A_8 {offsets = [12, 0], sizes = [1, 512], strides = [1, 1]} : vector<21x512xf32> to vector<1x512xf32>
    %mul3A_314 = arith.mulf %slice3A_313, %sub3A_18 : vector<1x512xf32>
    %slice3A_315 = vector.extract_strided_slice %get3A_8 {offsets = [13, 0], sizes = [1, 512], strides = [1, 1]} : vector<21x512xf32> to vector<1x512xf32>
    %mul3A_316 = arith.mulf %slice3A_315, %sub3A_21 : vector<1x512xf32>
    %add3A_317 = arith.addf %mul3A_314, %mul3A_316 : vector<1x512xf32>
    %slice3A_318 = vector.extract_strided_slice %get3A_8 {offsets = [14, 0], sizes = [1, 512], strides = [1, 1]} : vector<21x512xf32> to vector<1x512xf32>
    %mul3A_319 = arith.mulf %slice3A_318, %sub3A_24 : vector<1x512xf32>
    %add3A_320 = arith.addf %add3A_317, %mul3A_319 : vector<1x512xf32>
    %slice3A_321 = vector.extract_strided_slice %get3A_8 {offsets = [15, 0], sizes = [1, 512], strides = [1, 1]} : vector<21x512xf32> to vector<1x512xf32>
    %mul3A_322 = arith.mulf %slice3A_321, %sub3A_18 : vector<1x512xf32>
    %slice3A_323 = vector.extract_strided_slice %get3A_8 {offsets = [16, 0], sizes = [1, 512], strides = [1, 1]} : vector<21x512xf32> to vector<1x512xf32>
    %mul3A_324 = arith.mulf %slice3A_323, %sub3A_21 : vector<1x512xf32>
    %add3A_325 = arith.addf %mul3A_322, %mul3A_324 : vector<1x512xf32>
    %slice3A_326 = vector.extract_strided_slice %get3A_8 {offsets = [17, 0], sizes = [1, 512], strides = [1, 1]} : vector<21x512xf32> to vector<1x512xf32>
    %mul3A_327 = arith.mulf %slice3A_326, %sub3A_24 : vector<1x512xf32>
    %add3A_328 = arith.addf %add3A_325, %mul3A_327 : vector<1x512xf32>
    %slice3A_329 = vector.extract_strided_slice %get3A_8 {offsets = [18, 0], sizes = [1, 512], strides = [1, 1]} : vector<21x512xf32> to vector<1x512xf32>
    %mul3A_330 = arith.mulf %slice3A_329, %sub3A_18 : vector<1x512xf32>
    %slice3A_331 = vector.extract_strided_slice %get3A_8 {offsets = [19, 0], sizes = [1, 512], strides = [1, 1]} : vector<21x512xf32> to vector<1x512xf32>
    %mul3A_332 = arith.mulf %slice3A_331, %sub3A_21 : vector<1x512xf32>
    %add3A_333 = arith.addf %mul3A_330, %mul3A_332 : vector<1x512xf32>
    %slice3A_334 = vector.extract_strided_slice %get3A_8 {offsets = [20, 0], sizes = [1, 512], strides = [1, 1]} : vector<21x512xf32> to vector<1x512xf32>
    %mul3A_335 = arith.mulf %slice3A_334, %sub3A_24 : vector<1x512xf32>
    %add3A_336 = arith.addf %add3A_333, %mul3A_335 : vector<1x512xf32>
    %mul3A_337 = arith.mulf %add3A_320, %add3A_320 : vector<1x512xf32>
    %mul3A_338 = arith.mulf %add3A_328, %add3A_328 : vector<1x512xf32>
    %add3A_339 = arith.addf %mul3A_337, %mul3A_338 : vector<1x512xf32>
    %mul3A_340 = arith.mulf %add3A_336, %add3A_336 : vector<1x512xf32>
    %add3A_341 = arith.addf %add3A_339, %mul3A_340 : vector<1x512xf32>
    %sqrt3A_342 = math.sqrt %add3A_341 : vector<1x512xf32>
    %max3A_343 = arith.constant 9.99999996E-13 : f32
    %max3A_344 = vector.broadcast %max3A_343 : f32 to vector<1x512xf32>
    %max3A_345 = arith.maximumf %sqrt3A_342, %max3A_344 : vector<1x512xf32>
    %div3A_346 = arith.divf %add3A_320, %max3A_345 : vector<1x512xf32>
    %div3A_347 = arith.divf %add3A_328, %max3A_345 : vector<1x512xf32>
    %div3A_348 = arith.divf %add3A_336, %max3A_345 : vector<1x512xf32>
    %slice3A_349 = vector.extract_strided_slice %get3A_3 {offsets = [18, 0], sizes = [1, 512], strides = [1, 1]} : vector<27x512xf32> to vector<1x512xf32>
    %slice3A_350 = vector.extract_strided_slice %get3A_8 {offsets = [12, 0], sizes = [1, 512], strides = [1, 1]} : vector<21x512xf32> to vector<1x512xf32>
    %mul3A_351 = arith.mulf %slice3A_349, %slice3A_350 : vector<1x512xf32>
    %slice3A_352 = vector.extract_strided_slice %get3A_3 {offsets = [21, 0], sizes = [1, 512], strides = [1, 1]} : vector<27x512xf32> to vector<1x512xf32>
    %slice3A_353 = vector.extract_strided_slice %get3A_8 {offsets = [15, 0], sizes = [1, 512], strides = [1, 1]} : vector<21x512xf32> to vector<1x512xf32>
    %mul3A_354 = arith.mulf %slice3A_352, %slice3A_353 : vector<1x512xf32>
    %add3A_355 = arith.addf %mul3A_351, %mul3A_354 : vector<1x512xf32>
    %slice3A_356 = vector.extract_strided_slice %get3A_3 {offsets = [24, 0], sizes = [1, 512], strides = [1, 1]} : vector<27x512xf32> to vector<1x512xf32>
    %slice3A_357 = vector.extract_strided_slice %get3A_8 {offsets = [18, 0], sizes = [1, 512], strides = [1, 1]} : vector<21x512xf32> to vector<1x512xf32>
    %mul3A_358 = arith.mulf %slice3A_356, %slice3A_357 : vector<1x512xf32>
    %add3A_359 = arith.addf %add3A_355, %mul3A_358 : vector<1x512xf32>
    %slice3A_360 = vector.extract_strided_slice %get3A_3 {offsets = [19, 0], sizes = [1, 512], strides = [1, 1]} : vector<27x512xf32> to vector<1x512xf32>
    %slice3A_361 = vector.extract_strided_slice %get3A_8 {offsets = [13, 0], sizes = [1, 512], strides = [1, 1]} : vector<21x512xf32> to vector<1x512xf32>
    %mul3A_362 = arith.mulf %slice3A_360, %slice3A_361 : vector<1x512xf32>
    %slice3A_363 = vector.extract_strided_slice %get3A_3 {offsets = [22, 0], sizes = [1, 512], strides = [1, 1]} : vector<27x512xf32> to vector<1x512xf32>
    %slice3A_364 = vector.extract_strided_slice %get3A_8 {offsets = [16, 0], sizes = [1, 512], strides = [1, 1]} : vector<21x512xf32> to vector<1x512xf32>
    %mul3A_365 = arith.mulf %slice3A_363, %slice3A_364 : vector<1x512xf32>
    %add3A_366 = arith.addf %mul3A_362, %mul3A_365 : vector<1x512xf32>
    %slice3A_367 = vector.extract_strided_slice %get3A_3 {offsets = [25, 0], sizes = [1, 512], strides = [1, 1]} : vector<27x512xf32> to vector<1x512xf32>
    %slice3A_368 = vector.extract_strided_slice %get3A_8 {offsets = [19, 0], sizes = [1, 512], strides = [1, 1]} : vector<21x512xf32> to vector<1x512xf32>
    %mul3A_369 = arith.mulf %slice3A_367, %slice3A_368 : vector<1x512xf32>
    %add3A_370 = arith.addf %add3A_366, %mul3A_369 : vector<1x512xf32>
    %slice3A_371 = vector.extract_strided_slice %get3A_3 {offsets = [20, 0], sizes = [1, 512], strides = [1, 1]} : vector<27x512xf32> to vector<1x512xf32>
    %slice3A_372 = vector.extract_strided_slice %get3A_8 {offsets = [14, 0], sizes = [1, 512], strides = [1, 1]} : vector<21x512xf32> to vector<1x512xf32>
    %mul3A_373 = arith.mulf %slice3A_371, %slice3A_372 : vector<1x512xf32>
    %slice3A_374 = vector.extract_strided_slice %get3A_3 {offsets = [23, 0], sizes = [1, 512], strides = [1, 1]} : vector<27x512xf32> to vector<1x512xf32>
    %slice3A_375 = vector.extract_strided_slice %get3A_8 {offsets = [17, 0], sizes = [1, 512], strides = [1, 1]} : vector<21x512xf32> to vector<1x512xf32>
    %mul3A_376 = arith.mulf %slice3A_374, %slice3A_375 : vector<1x512xf32>
    %add3A_377 = arith.addf %mul3A_373, %mul3A_376 : vector<1x512xf32>
    %slice3A_378 = vector.extract_strided_slice %get3A_3 {offsets = [26, 0], sizes = [1, 512], strides = [1, 1]} : vector<27x512xf32> to vector<1x512xf32>
    %slice3A_379 = vector.extract_strided_slice %get3A_8 {offsets = [20, 0], sizes = [1, 512], strides = [1, 1]} : vector<21x512xf32> to vector<1x512xf32>
    %mul3A_380 = arith.mulf %slice3A_378, %slice3A_379 : vector<1x512xf32>
    %add3A_381 = arith.addf %add3A_377, %mul3A_380 : vector<1x512xf32>
    %slice3A_382 = vector.extract_strided_slice %get3A_312 {offsets = [0, 0], sizes = [1, 512], strides = [1, 1]} : vector<3x512xf32> to vector<1x512xf32>
    %add3A_383 = arith.constant 1.000000e+00 : f32
    %add3A_384 = vector.broadcast %add3A_383 : f32 to vector<1x512xf32>
    %add3A_385 = arith.addf %add3A_384, %add3A_359 : vector<1x512xf32>
    %sub3A_386 = arith.subf %add3A_385, %add3A_370 : vector<1x512xf32>
    %sub3A_387 = arith.subf %sub3A_386, %add3A_381 : vector<1x512xf32>
    %abs3A = math.absf %sub3A_387 : vector<1x512xf32>
    %sqrt3A_388 = math.sqrt %abs3A : vector<1x512xf32>
    %mul3A_389 = arith.constant 5.000000e-01 : f32
    %mul3A_390 = vector.broadcast %mul3A_389 : f32 to vector<1x512xf32>
    %mul3A_391 = arith.mulf %mul3A_390, %sqrt3A_388 : vector<1x512xf32>
    %mul3A_392 = arith.mulf %slice3A_382, %mul3A_391 : vector<1x512xf32>
    %slice3A_393 = vector.extract_strided_slice %get3A_312 {offsets = [1, 0], sizes = [1, 512], strides = [1, 1]} : vector<3x512xf32> to vector<1x512xf32>
    %sub3A_394 = arith.constant 1.000000e+00 : f32
    %sub3A_395 = vector.broadcast %sub3A_394 : f32 to vector<1x512xf32>
    %sub3A_396 = arith.subf %sub3A_395, %add3A_359 : vector<1x512xf32>
    %add3A_397 = arith.addf %sub3A_396, %add3A_370 : vector<1x512xf32>
    %sub3A_398 = arith.subf %add3A_397, %add3A_381 : vector<1x512xf32>
    %abs3A_399 = math.absf %sub3A_398 : vector<1x512xf32>
    %sqrt3A_400 = math.sqrt %abs3A_399 : vector<1x512xf32>
    %mul3A_401 = arith.constant 5.000000e-01 : f32
    %mul3A_402 = vector.broadcast %mul3A_401 : f32 to vector<1x512xf32>
    %mul3A_403 = arith.mulf %mul3A_402, %sqrt3A_400 : vector<1x512xf32>
    %mul3A_404 = arith.mulf %slice3A_393, %mul3A_403 : vector<1x512xf32>
    %slice3A_405 = vector.extract_strided_slice %get3A_312 {offsets = [2, 0], sizes = [1, 512], strides = [1, 1]} : vector<3x512xf32> to vector<1x512xf32>
    %sub3A_406 = arith.constant 1.000000e+00 : f32
    %sub3A_407 = vector.broadcast %sub3A_406 : f32 to vector<1x512xf32>
    %sub3A_408 = arith.subf %sub3A_407, %add3A_359 : vector<1x512xf32>
    %sub3A_409 = arith.subf %sub3A_408, %add3A_370 : vector<1x512xf32>
    %add3A_410 = arith.addf %sub3A_409, %add3A_381 : vector<1x512xf32>
    %abs3A_411 = math.absf %add3A_410 : vector<1x512xf32>
    %sqrt3A_412 = math.sqrt %abs3A_411 : vector<1x512xf32>
    %mul3A_413 = arith.constant 5.000000e-01 : f32
    %mul3A_414 = vector.broadcast %mul3A_413 : f32 to vector<1x512xf32>
    %mul3A_415 = arith.mulf %mul3A_414, %sqrt3A_412 : vector<1x512xf32>
    %mul3A_416 = arith.mulf %slice3A_405, %mul3A_415 : vector<1x512xf32>
    %add3A_417 = arith.constant 1.000000e+00 : f32
    %add3A_418 = vector.broadcast %add3A_417 : f32 to vector<1x512xf32>
    %add3A_419 = arith.addf %add3A_418, %add3A_359 : vector<1x512xf32>
    %add3A_420 = arith.addf %add3A_419, %add3A_370 : vector<1x512xf32>
    %add3A_421 = arith.addf %add3A_420, %add3A_381 : vector<1x512xf32>
    %max3A_422 = arith.constant 0.000000e+00 : f32
    %max3A_423 = vector.broadcast %max3A_422 : f32 to vector<1x512xf32>
    %max3A_424 = arith.maximumf %add3A_421, %max3A_423 : vector<1x512xf32>
    %sqrt3A_425 = math.sqrt %max3A_424 : vector<1x512xf32>
    %div3A_426 = arith.constant 2.000000e+00 : f32
    %div3A_427 = vector.broadcast %div3A_426 : f32 to vector<1x512xf32>
    %div3A_428 = arith.divf %sqrt3A_425, %div3A_427 : vector<1x512xf32>
    %mul3A_429 = arith.mulf %mul3A_392, %mul3A_392 : vector<1x512xf32>
    %mul3A_430 = arith.mulf %mul3A_404, %mul3A_404 : vector<1x512xf32>
    %add3A_431 = arith.addf %mul3A_429, %mul3A_430 : vector<1x512xf32>
    %mul3A_432 = arith.mulf %mul3A_416, %mul3A_416 : vector<1x512xf32>
    %add3A_433 = arith.addf %add3A_431, %mul3A_432 : vector<1x512xf32>
    %mul3A_434 = arith.mulf %div3A_428, %div3A_428 : vector<1x512xf32>
    %add3A_435 = arith.addf %add3A_433, %mul3A_434 : vector<1x512xf32>
    %sqrt3A_436 = math.sqrt %add3A_435 : vector<1x512xf32>
    %max3A_437 = arith.constant 9.99999996E-13 : f32
    %max3A_438 = vector.broadcast %max3A_437 : f32 to vector<1x512xf32>
    %max3A_439 = arith.maximumf %sqrt3A_436, %max3A_438 : vector<1x512xf32>
    %div3A_440 = arith.divf %mul3A_392, %max3A_439 : vector<1x512xf32>
    %div3A_441 = arith.divf %mul3A_404, %max3A_439 : vector<1x512xf32>
    %div3A_442 = arith.divf %mul3A_416, %max3A_439 : vector<1x512xf32>
    %div3A_443 = arith.divf %div3A_428, %max3A_439 : vector<1x512xf32>
    %sub3A_444 = arith.constant 0.000000e+00 : f32
    %sub3A_445 = vector.broadcast %sub3A_444 : f32 to vector<1x512xf32>
    %sub3A_446 = arith.subf %sqrt3A, %sub3A_445 : vector<1x512xf32>
    %mul3A_447 = arith.constant 8.000000e-01 : f32
    %mul3A_448 = vector.broadcast %mul3A_447 : f32 to vector<1x512xf32>
    %mul3A_449 = arith.mulf %sub3A_446, %mul3A_448 : vector<1x512xf32>
    %mul3A_450 = arith.mulf %mul3A_449, %mul3A_449 : vector<1x512xf32>
    %neg3A = arith.constant 0.000000e+00 : f32
    %neg3A_451 = vector.broadcast %neg3A : f32 to vector<1x512xf32>
    %neg3A_452 = arith.subf %neg3A_451, %mul3A_450 : vector<1x512xf32>
    %exp3A = math.exp %neg3A_452 : vector<1x512xf32>
    %sub3A_453 = arith.constant 1.33333337 : f32
    %sub3A_454 = vector.broadcast %sub3A_453 : f32 to vector<1x512xf32>
    %sub3A_455 = arith.subf %sqrt3A, %sub3A_454 : vector<1x512xf32>
    %mul3A_456 = arith.constant 8.000000e-01 : f32
    %mul3A_457 = vector.broadcast %mul3A_456 : f32 to vector<1x512xf32>
    %mul3A_458 = arith.mulf %sub3A_455, %mul3A_457 : vector<1x512xf32>
    %mul3A_459 = arith.mulf %mul3A_458, %mul3A_458 : vector<1x512xf32>
    %neg3A_460 = arith.constant 0.000000e+00 : f32
    %neg3A_461 = vector.broadcast %neg3A_460 : f32 to vector<1x512xf32>
    %neg3A_462 = arith.subf %neg3A_461, %mul3A_459 : vector<1x512xf32>
    %exp3A_463 = math.exp %neg3A_462 : vector<1x512xf32>
    %sub3A_464 = arith.constant 2.66666675 : f32
    %sub3A_465 = vector.broadcast %sub3A_464 : f32 to vector<1x512xf32>
    %sub3A_466 = arith.subf %sqrt3A, %sub3A_465 : vector<1x512xf32>
    %mul3A_467 = arith.constant 8.000000e-01 : f32
    %mul3A_468 = vector.broadcast %mul3A_467 : f32 to vector<1x512xf32>
    %mul3A_469 = arith.mulf %sub3A_466, %mul3A_468 : vector<1x512xf32>
    %mul3A_470 = arith.mulf %mul3A_469, %mul3A_469 : vector<1x512xf32>
    %neg3A_471 = arith.constant 0.000000e+00 : f32
    %neg3A_472 = vector.broadcast %neg3A_471 : f32 to vector<1x512xf32>
    %neg3A_473 = arith.subf %neg3A_472, %mul3A_470 : vector<1x512xf32>
    %exp3A_474 = math.exp %neg3A_473 : vector<1x512xf32>
    %sub3A_475 = arith.constant 4.000000e+00 : f32
    %sub3A_476 = vector.broadcast %sub3A_475 : f32 to vector<1x512xf32>
    %sub3A_477 = arith.subf %sqrt3A, %sub3A_476 : vector<1x512xf32>
    %mul3A_478 = arith.constant 8.000000e-01 : f32
    %mul3A_479 = vector.broadcast %mul3A_478 : f32 to vector<1x512xf32>
    %mul3A_480 = arith.mulf %sub3A_477, %mul3A_479 : vector<1x512xf32>
    %mul3A_481 = arith.mulf %mul3A_480, %mul3A_480 : vector<1x512xf32>
    %neg3A_482 = arith.constant 0.000000e+00 : f32
    %neg3A_483 = vector.broadcast %neg3A_482 : f32 to vector<1x512xf32>
    %neg3A_484 = arith.subf %neg3A_483, %mul3A_481 : vector<1x512xf32>
    %exp3A_485 = math.exp %neg3A_484 : vector<1x512xf32>
    %sub3A_486 = arith.constant 5.33333349 : f32
    %sub3A_487 = vector.broadcast %sub3A_486 : f32 to vector<1x512xf32>
    %sub3A_488 = arith.subf %sqrt3A, %sub3A_487 : vector<1x512xf32>
    %mul3A_489 = arith.constant 8.000000e-01 : f32
    %mul3A_490 = vector.broadcast %mul3A_489 : f32 to vector<1x512xf32>
    %mul3A_491 = arith.mulf %sub3A_488, %mul3A_490 : vector<1x512xf32>
    %mul3A_492 = arith.mulf %mul3A_491, %mul3A_491 : vector<1x512xf32>
    %neg3A_493 = arith.constant 0.000000e+00 : f32
    %neg3A_494 = vector.broadcast %neg3A_493 : f32 to vector<1x512xf32>
    %neg3A_495 = arith.subf %neg3A_494, %mul3A_492 : vector<1x512xf32>
    %exp3A_496 = math.exp %neg3A_495 : vector<1x512xf32>
    %sub3A_497 = arith.constant 6.66666651 : f32
    %sub3A_498 = vector.broadcast %sub3A_497 : f32 to vector<1x512xf32>
    %sub3A_499 = arith.subf %sqrt3A, %sub3A_498 : vector<1x512xf32>
    %mul3A_500 = arith.constant 8.000000e-01 : f32
    %mul3A_501 = vector.broadcast %mul3A_500 : f32 to vector<1x512xf32>
    %mul3A_502 = arith.mulf %sub3A_499, %mul3A_501 : vector<1x512xf32>
    %mul3A_503 = arith.mulf %mul3A_502, %mul3A_502 : vector<1x512xf32>
    %neg3A_504 = arith.constant 0.000000e+00 : f32
    %neg3A_505 = vector.broadcast %neg3A_504 : f32 to vector<1x512xf32>
    %neg3A_506 = arith.subf %neg3A_505, %mul3A_503 : vector<1x512xf32>
    %exp3A_507 = math.exp %neg3A_506 : vector<1x512xf32>
    %sub3A_508 = arith.constant 8.000000e+00 : f32
    %sub3A_509 = vector.broadcast %sub3A_508 : f32 to vector<1x512xf32>
    %sub3A_510 = arith.subf %sqrt3A, %sub3A_509 : vector<1x512xf32>
    %mul3A_511 = arith.constant 8.000000e-01 : f32
    %mul3A_512 = vector.broadcast %mul3A_511 : f32 to vector<1x512xf32>
    %mul3A_513 = arith.mulf %sub3A_510, %mul3A_512 : vector<1x512xf32>
    %mul3A_514 = arith.mulf %mul3A_513, %mul3A_513 : vector<1x512xf32>
    %neg3A_515 = arith.constant 0.000000e+00 : f32
    %neg3A_516 = vector.broadcast %neg3A_515 : f32 to vector<1x512xf32>
    %neg3A_517 = arith.subf %neg3A_516, %mul3A_514 : vector<1x512xf32>
    %exp3A_518 = math.exp %neg3A_517 : vector<1x512xf32>
    %sub3A_519 = arith.constant 9.33333301 : f32
    %sub3A_520 = vector.broadcast %sub3A_519 : f32 to vector<1x512xf32>
    %sub3A_521 = arith.subf %sqrt3A, %sub3A_520 : vector<1x512xf32>
    %mul3A_522 = arith.constant 8.000000e-01 : f32
    %mul3A_523 = vector.broadcast %mul3A_522 : f32 to vector<1x512xf32>
    %mul3A_524 = arith.mulf %sub3A_521, %mul3A_523 : vector<1x512xf32>
    %mul3A_525 = arith.mulf %mul3A_524, %mul3A_524 : vector<1x512xf32>
    %neg3A_526 = arith.constant 0.000000e+00 : f32
    %neg3A_527 = vector.broadcast %neg3A_526 : f32 to vector<1x512xf32>
    %neg3A_528 = arith.subf %neg3A_527, %mul3A_525 : vector<1x512xf32>
    %exp3A_529 = math.exp %neg3A_528 : vector<1x512xf32>
    %sub3A_530 = arith.constant 10.666667 : f32
    %sub3A_531 = vector.broadcast %sub3A_530 : f32 to vector<1x512xf32>
    %sub3A_532 = arith.subf %sqrt3A, %sub3A_531 : vector<1x512xf32>
    %mul3A_533 = arith.constant 8.000000e-01 : f32
    %mul3A_534 = vector.broadcast %mul3A_533 : f32 to vector<1x512xf32>
    %mul3A_535 = arith.mulf %sub3A_532, %mul3A_534 : vector<1x512xf32>
    %mul3A_536 = arith.mulf %mul3A_535, %mul3A_535 : vector<1x512xf32>
    %neg3A_537 = arith.constant 0.000000e+00 : f32
    %neg3A_538 = vector.broadcast %neg3A_537 : f32 to vector<1x512xf32>
    %neg3A_539 = arith.subf %neg3A_538, %mul3A_536 : vector<1x512xf32>
    %exp3A_540 = math.exp %neg3A_539 : vector<1x512xf32>
    %sub3A_541 = arith.constant 1.200000e+01 : f32
    %sub3A_542 = vector.broadcast %sub3A_541 : f32 to vector<1x512xf32>
    %sub3A_543 = arith.subf %sqrt3A, %sub3A_542 : vector<1x512xf32>
    %mul3A_544 = arith.constant 8.000000e-01 : f32
    %mul3A_545 = vector.broadcast %mul3A_544 : f32 to vector<1x512xf32>
    %mul3A_546 = arith.mulf %sub3A_543, %mul3A_545 : vector<1x512xf32>
    %mul3A_547 = arith.mulf %mul3A_546, %mul3A_546 : vector<1x512xf32>
    %neg3A_548 = arith.constant 0.000000e+00 : f32
    %neg3A_549 = vector.broadcast %neg3A_548 : f32 to vector<1x512xf32>
    %neg3A_550 = arith.subf %neg3A_549, %mul3A_547 : vector<1x512xf32>
    %exp3A_551 = math.exp %neg3A_550 : vector<1x512xf32>
    %sub3A_552 = arith.constant 13.333333 : f32
    %sub3A_553 = vector.broadcast %sub3A_552 : f32 to vector<1x512xf32>
    %sub3A_554 = arith.subf %sqrt3A, %sub3A_553 : vector<1x512xf32>
    %mul3A_555 = arith.constant 8.000000e-01 : f32
    %mul3A_556 = vector.broadcast %mul3A_555 : f32 to vector<1x512xf32>
    %mul3A_557 = arith.mulf %sub3A_554, %mul3A_556 : vector<1x512xf32>
    %mul3A_558 = arith.mulf %mul3A_557, %mul3A_557 : vector<1x512xf32>
    %neg3A_559 = arith.constant 0.000000e+00 : f32
    %neg3A_560 = vector.broadcast %neg3A_559 : f32 to vector<1x512xf32>
    %neg3A_561 = arith.subf %neg3A_560, %mul3A_558 : vector<1x512xf32>
    %exp3A_562 = math.exp %neg3A_561 : vector<1x512xf32>
    %sub3A_563 = arith.constant 14.666667 : f32
    %sub3A_564 = vector.broadcast %sub3A_563 : f32 to vector<1x512xf32>
    %sub3A_565 = arith.subf %sqrt3A, %sub3A_564 : vector<1x512xf32>
    %mul3A_566 = arith.constant 8.000000e-01 : f32
    %mul3A_567 = vector.broadcast %mul3A_566 : f32 to vector<1x512xf32>
    %mul3A_568 = arith.mulf %sub3A_565, %mul3A_567 : vector<1x512xf32>
    %mul3A_569 = arith.mulf %mul3A_568, %mul3A_568 : vector<1x512xf32>
    %neg3A_570 = arith.constant 0.000000e+00 : f32
    %neg3A_571 = vector.broadcast %neg3A_570 : f32 to vector<1x512xf32>
    %neg3A_572 = arith.subf %neg3A_571, %mul3A_569 : vector<1x512xf32>
    %exp3A_573 = math.exp %neg3A_572 : vector<1x512xf32>
    %sub3A_574 = arith.constant 1.600000e+01 : f32
    %sub3A_575 = vector.broadcast %sub3A_574 : f32 to vector<1x512xf32>
    %sub3A_576 = arith.subf %sqrt3A, %sub3A_575 : vector<1x512xf32>
    %mul3A_577 = arith.constant 8.000000e-01 : f32
    %mul3A_578 = vector.broadcast %mul3A_577 : f32 to vector<1x512xf32>
    %mul3A_579 = arith.mulf %sub3A_576, %mul3A_578 : vector<1x512xf32>
    %mul3A_580 = arith.mulf %mul3A_579, %mul3A_579 : vector<1x512xf32>
    %neg3A_581 = arith.constant 0.000000e+00 : f32
    %neg3A_582 = vector.broadcast %neg3A_581 : f32 to vector<1x512xf32>
    %neg3A_583 = arith.subf %neg3A_582, %mul3A_580 : vector<1x512xf32>
    %exp3A_584 = math.exp %neg3A_583 : vector<1x512xf32>
    %sub3A_585 = arith.constant 17.333334 : f32
    %sub3A_586 = vector.broadcast %sub3A_585 : f32 to vector<1x512xf32>
    %sub3A_587 = arith.subf %sqrt3A, %sub3A_586 : vector<1x512xf32>
    %mul3A_588 = arith.constant 8.000000e-01 : f32
    %mul3A_589 = vector.broadcast %mul3A_588 : f32 to vector<1x512xf32>
    %mul3A_590 = arith.mulf %sub3A_587, %mul3A_589 : vector<1x512xf32>
    %mul3A_591 = arith.mulf %mul3A_590, %mul3A_590 : vector<1x512xf32>
    %neg3A_592 = arith.constant 0.000000e+00 : f32
    %neg3A_593 = vector.broadcast %neg3A_592 : f32 to vector<1x512xf32>
    %neg3A_594 = arith.subf %neg3A_593, %mul3A_591 : vector<1x512xf32>
    %exp3A_595 = math.exp %neg3A_594 : vector<1x512xf32>
    %sub3A_596 = arith.constant 18.666666 : f32
    %sub3A_597 = vector.broadcast %sub3A_596 : f32 to vector<1x512xf32>
    %sub3A_598 = arith.subf %sqrt3A, %sub3A_597 : vector<1x512xf32>
    %mul3A_599 = arith.constant 8.000000e-01 : f32
    %mul3A_600 = vector.broadcast %mul3A_599 : f32 to vector<1x512xf32>
    %mul3A_601 = arith.mulf %sub3A_598, %mul3A_600 : vector<1x512xf32>
    %mul3A_602 = arith.mulf %mul3A_601, %mul3A_601 : vector<1x512xf32>
    %neg3A_603 = arith.constant 0.000000e+00 : f32
    %neg3A_604 = vector.broadcast %neg3A_603 : f32 to vector<1x512xf32>
    %neg3A_605 = arith.subf %neg3A_604, %mul3A_602 : vector<1x512xf32>
    %exp3A_606 = math.exp %neg3A_605 : vector<1x512xf32>
    %sub3A_607 = arith.constant 2.000000e+01 : f32
    %sub3A_608 = vector.broadcast %sub3A_607 : f32 to vector<1x512xf32>
    %sub3A_609 = arith.subf %sqrt3A, %sub3A_608 : vector<1x512xf32>
    %mul3A_610 = arith.constant 8.000000e-01 : f32
    %mul3A_611 = vector.broadcast %mul3A_610 : f32 to vector<1x512xf32>
    %mul3A_612 = arith.mulf %sub3A_609, %mul3A_611 : vector<1x512xf32>
    %mul3A_613 = arith.mulf %mul3A_612, %mul3A_612 : vector<1x512xf32>
    %neg3A_614 = arith.constant 0.000000e+00 : f32
    %neg3A_615 = vector.broadcast %neg3A_614 : f32 to vector<1x512xf32>
    %neg3A_616 = arith.subf %neg3A_615, %mul3A_613 : vector<1x512xf32>
    %exp3A_617 = math.exp %neg3A_616 : vector<1x512xf32>
    %sub3A_618 = arith.constant 0.000000e+00 : f32
    %sub3A_619 = vector.broadcast %sub3A_618 : f32 to vector<1x512xf32>
    %sub3A_620 = arith.subf %sqrt3A_69, %sub3A_619 : vector<1x512xf32>
    %mul3A_621 = arith.constant 8.000000e-01 : f32
    %mul3A_622 = vector.broadcast %mul3A_621 : f32 to vector<1x512xf32>
    %mul3A_623 = arith.mulf %sub3A_620, %mul3A_622 : vector<1x512xf32>
    %mul3A_624 = arith.mulf %mul3A_623, %mul3A_623 : vector<1x512xf32>
    %neg3A_625 = arith.constant 0.000000e+00 : f32
    %neg3A_626 = vector.broadcast %neg3A_625 : f32 to vector<1x512xf32>
    %neg3A_627 = arith.subf %neg3A_626, %mul3A_624 : vector<1x512xf32>
    %exp3A_628 = math.exp %neg3A_627 : vector<1x512xf32>
    %sub3A_629 = arith.constant 1.33333337 : f32
    %sub3A_630 = vector.broadcast %sub3A_629 : f32 to vector<1x512xf32>
    %sub3A_631 = arith.subf %sqrt3A_69, %sub3A_630 : vector<1x512xf32>
    %mul3A_632 = arith.constant 8.000000e-01 : f32
    %mul3A_633 = vector.broadcast %mul3A_632 : f32 to vector<1x512xf32>
    %mul3A_634 = arith.mulf %sub3A_631, %mul3A_633 : vector<1x512xf32>
    %mul3A_635 = arith.mulf %mul3A_634, %mul3A_634 : vector<1x512xf32>
    %neg3A_636 = arith.constant 0.000000e+00 : f32
    %neg3A_637 = vector.broadcast %neg3A_636 : f32 to vector<1x512xf32>
    %neg3A_638 = arith.subf %neg3A_637, %mul3A_635 : vector<1x512xf32>
    %exp3A_639 = math.exp %neg3A_638 : vector<1x512xf32>
    %sub3A_640 = arith.constant 2.66666675 : f32
    %sub3A_641 = vector.broadcast %sub3A_640 : f32 to vector<1x512xf32>
    %sub3A_642 = arith.subf %sqrt3A_69, %sub3A_641 : vector<1x512xf32>
    %mul3A_643 = arith.constant 8.000000e-01 : f32
    %mul3A_644 = vector.broadcast %mul3A_643 : f32 to vector<1x512xf32>
    %mul3A_645 = arith.mulf %sub3A_642, %mul3A_644 : vector<1x512xf32>
    %mul3A_646 = arith.mulf %mul3A_645, %mul3A_645 : vector<1x512xf32>
    %neg3A_647 = arith.constant 0.000000e+00 : f32
    %neg3A_648 = vector.broadcast %neg3A_647 : f32 to vector<1x512xf32>
    %neg3A_649 = arith.subf %neg3A_648, %mul3A_646 : vector<1x512xf32>
    %exp3A_650 = math.exp %neg3A_649 : vector<1x512xf32>
    %sub3A_651 = arith.constant 4.000000e+00 : f32
    %sub3A_652 = vector.broadcast %sub3A_651 : f32 to vector<1x512xf32>
    %sub3A_653 = arith.subf %sqrt3A_69, %sub3A_652 : vector<1x512xf32>
    %mul3A_654 = arith.constant 8.000000e-01 : f32
    %mul3A_655 = vector.broadcast %mul3A_654 : f32 to vector<1x512xf32>
    %mul3A_656 = arith.mulf %sub3A_653, %mul3A_655 : vector<1x512xf32>
    %mul3A_657 = arith.mulf %mul3A_656, %mul3A_656 : vector<1x512xf32>
    %neg3A_658 = arith.constant 0.000000e+00 : f32
    %neg3A_659 = vector.broadcast %neg3A_658 : f32 to vector<1x512xf32>
    %neg3A_660 = arith.subf %neg3A_659, %mul3A_657 : vector<1x512xf32>
    %exp3A_661 = math.exp %neg3A_660 : vector<1x512xf32>
    %sub3A_662 = arith.constant 5.33333349 : f32
    %sub3A_663 = vector.broadcast %sub3A_662 : f32 to vector<1x512xf32>
    %sub3A_664 = arith.subf %sqrt3A_69, %sub3A_663 : vector<1x512xf32>
    %mul3A_665 = arith.constant 8.000000e-01 : f32
    %mul3A_666 = vector.broadcast %mul3A_665 : f32 to vector<1x512xf32>
    %mul3A_667 = arith.mulf %sub3A_664, %mul3A_666 : vector<1x512xf32>
    %mul3A_668 = arith.mulf %mul3A_667, %mul3A_667 : vector<1x512xf32>
    %neg3A_669 = arith.constant 0.000000e+00 : f32
    %neg3A_670 = vector.broadcast %neg3A_669 : f32 to vector<1x512xf32>
    %neg3A_671 = arith.subf %neg3A_670, %mul3A_668 : vector<1x512xf32>
    %exp3A_672 = math.exp %neg3A_671 : vector<1x512xf32>
    %sub3A_673 = arith.constant 6.66666651 : f32
    %sub3A_674 = vector.broadcast %sub3A_673 : f32 to vector<1x512xf32>
    %sub3A_675 = arith.subf %sqrt3A_69, %sub3A_674 : vector<1x512xf32>
    %mul3A_676 = arith.constant 8.000000e-01 : f32
    %mul3A_677 = vector.broadcast %mul3A_676 : f32 to vector<1x512xf32>
    %mul3A_678 = arith.mulf %sub3A_675, %mul3A_677 : vector<1x512xf32>
    %mul3A_679 = arith.mulf %mul3A_678, %mul3A_678 : vector<1x512xf32>
    %neg3A_680 = arith.constant 0.000000e+00 : f32
    %neg3A_681 = vector.broadcast %neg3A_680 : f32 to vector<1x512xf32>
    %neg3A_682 = arith.subf %neg3A_681, %mul3A_679 : vector<1x512xf32>
    %exp3A_683 = math.exp %neg3A_682 : vector<1x512xf32>
    %sub3A_684 = arith.constant 8.000000e+00 : f32
    %sub3A_685 = vector.broadcast %sub3A_684 : f32 to vector<1x512xf32>
    %sub3A_686 = arith.subf %sqrt3A_69, %sub3A_685 : vector<1x512xf32>
    %mul3A_687 = arith.constant 8.000000e-01 : f32
    %mul3A_688 = vector.broadcast %mul3A_687 : f32 to vector<1x512xf32>
    %mul3A_689 = arith.mulf %sub3A_686, %mul3A_688 : vector<1x512xf32>
    %mul3A_690 = arith.mulf %mul3A_689, %mul3A_689 : vector<1x512xf32>
    %neg3A_691 = arith.constant 0.000000e+00 : f32
    %neg3A_692 = vector.broadcast %neg3A_691 : f32 to vector<1x512xf32>
    %neg3A_693 = arith.subf %neg3A_692, %mul3A_690 : vector<1x512xf32>
    %exp3A_694 = math.exp %neg3A_693 : vector<1x512xf32>
    %sub3A_695 = arith.constant 9.33333301 : f32
    %sub3A_696 = vector.broadcast %sub3A_695 : f32 to vector<1x512xf32>
    %sub3A_697 = arith.subf %sqrt3A_69, %sub3A_696 : vector<1x512xf32>
    %mul3A_698 = arith.constant 8.000000e-01 : f32
    %mul3A_699 = vector.broadcast %mul3A_698 : f32 to vector<1x512xf32>
    %mul3A_700 = arith.mulf %sub3A_697, %mul3A_699 : vector<1x512xf32>
    %mul3A_701 = arith.mulf %mul3A_700, %mul3A_700 : vector<1x512xf32>
    %neg3A_702 = arith.constant 0.000000e+00 : f32
    %neg3A_703 = vector.broadcast %neg3A_702 : f32 to vector<1x512xf32>
    %neg3A_704 = arith.subf %neg3A_703, %mul3A_701 : vector<1x512xf32>
    %exp3A_705 = math.exp %neg3A_704 : vector<1x512xf32>
    %sub3A_706 = arith.constant 10.666667 : f32
    %sub3A_707 = vector.broadcast %sub3A_706 : f32 to vector<1x512xf32>
    %sub3A_708 = arith.subf %sqrt3A_69, %sub3A_707 : vector<1x512xf32>
    %mul3A_709 = arith.constant 8.000000e-01 : f32
    %mul3A_710 = vector.broadcast %mul3A_709 : f32 to vector<1x512xf32>
    %mul3A_711 = arith.mulf %sub3A_708, %mul3A_710 : vector<1x512xf32>
    %mul3A_712 = arith.mulf %mul3A_711, %mul3A_711 : vector<1x512xf32>
    %neg3A_713 = arith.constant 0.000000e+00 : f32
    %neg3A_714 = vector.broadcast %neg3A_713 : f32 to vector<1x512xf32>
    %neg3A_715 = arith.subf %neg3A_714, %mul3A_712 : vector<1x512xf32>
    %exp3A_716 = math.exp %neg3A_715 : vector<1x512xf32>
    %sub3A_717 = arith.constant 1.200000e+01 : f32
    %sub3A_718 = vector.broadcast %sub3A_717 : f32 to vector<1x512xf32>
    %sub3A_719 = arith.subf %sqrt3A_69, %sub3A_718 : vector<1x512xf32>
    %mul3A_720 = arith.constant 8.000000e-01 : f32
    %mul3A_721 = vector.broadcast %mul3A_720 : f32 to vector<1x512xf32>
    %mul3A_722 = arith.mulf %sub3A_719, %mul3A_721 : vector<1x512xf32>
    %mul3A_723 = arith.mulf %mul3A_722, %mul3A_722 : vector<1x512xf32>
    %neg3A_724 = arith.constant 0.000000e+00 : f32
    %neg3A_725 = vector.broadcast %neg3A_724 : f32 to vector<1x512xf32>
    %neg3A_726 = arith.subf %neg3A_725, %mul3A_723 : vector<1x512xf32>
    %exp3A_727 = math.exp %neg3A_726 : vector<1x512xf32>
    %sub3A_728 = arith.constant 13.333333 : f32
    %sub3A_729 = vector.broadcast %sub3A_728 : f32 to vector<1x512xf32>
    %sub3A_730 = arith.subf %sqrt3A_69, %sub3A_729 : vector<1x512xf32>
    %mul3A_731 = arith.constant 8.000000e-01 : f32
    %mul3A_732 = vector.broadcast %mul3A_731 : f32 to vector<1x512xf32>
    %mul3A_733 = arith.mulf %sub3A_730, %mul3A_732 : vector<1x512xf32>
    %mul3A_734 = arith.mulf %mul3A_733, %mul3A_733 : vector<1x512xf32>
    %neg3A_735 = arith.constant 0.000000e+00 : f32
    %neg3A_736 = vector.broadcast %neg3A_735 : f32 to vector<1x512xf32>
    %neg3A_737 = arith.subf %neg3A_736, %mul3A_734 : vector<1x512xf32>
    %exp3A_738 = math.exp %neg3A_737 : vector<1x512xf32>
    %sub3A_739 = arith.constant 14.666667 : f32
    %sub3A_740 = vector.broadcast %sub3A_739 : f32 to vector<1x512xf32>
    %sub3A_741 = arith.subf %sqrt3A_69, %sub3A_740 : vector<1x512xf32>
    %mul3A_742 = arith.constant 8.000000e-01 : f32
    %mul3A_743 = vector.broadcast %mul3A_742 : f32 to vector<1x512xf32>
    %mul3A_744 = arith.mulf %sub3A_741, %mul3A_743 : vector<1x512xf32>
    %mul3A_745 = arith.mulf %mul3A_744, %mul3A_744 : vector<1x512xf32>
    %neg3A_746 = arith.constant 0.000000e+00 : f32
    %neg3A_747 = vector.broadcast %neg3A_746 : f32 to vector<1x512xf32>
    %neg3A_748 = arith.subf %neg3A_747, %mul3A_745 : vector<1x512xf32>
    %exp3A_749 = math.exp %neg3A_748 : vector<1x512xf32>
    %sub3A_750 = arith.constant 1.600000e+01 : f32
    %sub3A_751 = vector.broadcast %sub3A_750 : f32 to vector<1x512xf32>
    %sub3A_752 = arith.subf %sqrt3A_69, %sub3A_751 : vector<1x512xf32>
    %mul3A_753 = arith.constant 8.000000e-01 : f32
    %mul3A_754 = vector.broadcast %mul3A_753 : f32 to vector<1x512xf32>
    %mul3A_755 = arith.mulf %sub3A_752, %mul3A_754 : vector<1x512xf32>
    %mul3A_756 = arith.mulf %mul3A_755, %mul3A_755 : vector<1x512xf32>
    %neg3A_757 = arith.constant 0.000000e+00 : f32
    %neg3A_758 = vector.broadcast %neg3A_757 : f32 to vector<1x512xf32>
    %neg3A_759 = arith.subf %neg3A_758, %mul3A_756 : vector<1x512xf32>
    %exp3A_760 = math.exp %neg3A_759 : vector<1x512xf32>
    %sub3A_761 = arith.constant 17.333334 : f32
    %sub3A_762 = vector.broadcast %sub3A_761 : f32 to vector<1x512xf32>
    %sub3A_763 = arith.subf %sqrt3A_69, %sub3A_762 : vector<1x512xf32>
    %mul3A_764 = arith.constant 8.000000e-01 : f32
    %mul3A_765 = vector.broadcast %mul3A_764 : f32 to vector<1x512xf32>
    %mul3A_766 = arith.mulf %sub3A_763, %mul3A_765 : vector<1x512xf32>
    %mul3A_767 = arith.mulf %mul3A_766, %mul3A_766 : vector<1x512xf32>
    %neg3A_768 = arith.constant 0.000000e+00 : f32
    %neg3A_769 = vector.broadcast %neg3A_768 : f32 to vector<1x512xf32>
    %neg3A_770 = arith.subf %neg3A_769, %mul3A_767 : vector<1x512xf32>
    %exp3A_771 = math.exp %neg3A_770 : vector<1x512xf32>
    %sub3A_772 = arith.constant 18.666666 : f32
    %sub3A_773 = vector.broadcast %sub3A_772 : f32 to vector<1x512xf32>
    %sub3A_774 = arith.subf %sqrt3A_69, %sub3A_773 : vector<1x512xf32>
    %mul3A_775 = arith.constant 8.000000e-01 : f32
    %mul3A_776 = vector.broadcast %mul3A_775 : f32 to vector<1x512xf32>
    %mul3A_777 = arith.mulf %sub3A_774, %mul3A_776 : vector<1x512xf32>
    %mul3A_778 = arith.mulf %mul3A_777, %mul3A_777 : vector<1x512xf32>
    %neg3A_779 = arith.constant 0.000000e+00 : f32
    %neg3A_780 = vector.broadcast %neg3A_779 : f32 to vector<1x512xf32>
    %neg3A_781 = arith.subf %neg3A_780, %mul3A_778 : vector<1x512xf32>
    %exp3A_782 = math.exp %neg3A_781 : vector<1x512xf32>
    %sub3A_783 = arith.constant 2.000000e+01 : f32
    %sub3A_784 = vector.broadcast %sub3A_783 : f32 to vector<1x512xf32>
    %sub3A_785 = arith.subf %sqrt3A_69, %sub3A_784 : vector<1x512xf32>
    %mul3A_786 = arith.constant 8.000000e-01 : f32
    %mul3A_787 = vector.broadcast %mul3A_786 : f32 to vector<1x512xf32>
    %mul3A_788 = arith.mulf %sub3A_785, %mul3A_787 : vector<1x512xf32>
    %mul3A_789 = arith.mulf %mul3A_788, %mul3A_788 : vector<1x512xf32>
    %neg3A_790 = arith.constant 0.000000e+00 : f32
    %neg3A_791 = vector.broadcast %neg3A_790 : f32 to vector<1x512xf32>
    %neg3A_792 = arith.subf %neg3A_791, %mul3A_789 : vector<1x512xf32>
    %exp3A_793 = math.exp %neg3A_792 : vector<1x512xf32>
    %sub3A_794 = arith.constant 0.000000e+00 : f32
    %sub3A_795 = vector.broadcast %sub3A_794 : f32 to vector<1x512xf32>
    %sub3A_796 = arith.subf %sqrt3A_75, %sub3A_795 : vector<1x512xf32>
    %mul3A_797 = arith.constant 8.000000e-01 : f32
    %mul3A_798 = vector.broadcast %mul3A_797 : f32 to vector<1x512xf32>
    %mul3A_799 = arith.mulf %sub3A_796, %mul3A_798 : vector<1x512xf32>
    %mul3A_800 = arith.mulf %mul3A_799, %mul3A_799 : vector<1x512xf32>
    %neg3A_801 = arith.constant 0.000000e+00 : f32
    %neg3A_802 = vector.broadcast %neg3A_801 : f32 to vector<1x512xf32>
    %neg3A_803 = arith.subf %neg3A_802, %mul3A_800 : vector<1x512xf32>
    %exp3A_804 = math.exp %neg3A_803 : vector<1x512xf32>
    %sub3A_805 = arith.constant 1.33333337 : f32
    %sub3A_806 = vector.broadcast %sub3A_805 : f32 to vector<1x512xf32>
    %sub3A_807 = arith.subf %sqrt3A_75, %sub3A_806 : vector<1x512xf32>
    %mul3A_808 = arith.constant 8.000000e-01 : f32
    %mul3A_809 = vector.broadcast %mul3A_808 : f32 to vector<1x512xf32>
    %mul3A_810 = arith.mulf %sub3A_807, %mul3A_809 : vector<1x512xf32>
    %mul3A_811 = arith.mulf %mul3A_810, %mul3A_810 : vector<1x512xf32>
    %neg3A_812 = arith.constant 0.000000e+00 : f32
    %neg3A_813 = vector.broadcast %neg3A_812 : f32 to vector<1x512xf32>
    %neg3A_814 = arith.subf %neg3A_813, %mul3A_811 : vector<1x512xf32>
    %exp3A_815 = math.exp %neg3A_814 : vector<1x512xf32>
    %sub3A_816 = arith.constant 2.66666675 : f32
    %sub3A_817 = vector.broadcast %sub3A_816 : f32 to vector<1x512xf32>
    %sub3A_818 = arith.subf %sqrt3A_75, %sub3A_817 : vector<1x512xf32>
    %mul3A_819 = arith.constant 8.000000e-01 : f32
    %mul3A_820 = vector.broadcast %mul3A_819 : f32 to vector<1x512xf32>
    %mul3A_821 = arith.mulf %sub3A_818, %mul3A_820 : vector<1x512xf32>
    %mul3A_822 = arith.mulf %mul3A_821, %mul3A_821 : vector<1x512xf32>
    %neg3A_823 = arith.constant 0.000000e+00 : f32
    %neg3A_824 = vector.broadcast %neg3A_823 : f32 to vector<1x512xf32>
    %neg3A_825 = arith.subf %neg3A_824, %mul3A_822 : vector<1x512xf32>
    %exp3A_826 = math.exp %neg3A_825 : vector<1x512xf32>
    %sub3A_827 = arith.constant 4.000000e+00 : f32
    %sub3A_828 = vector.broadcast %sub3A_827 : f32 to vector<1x512xf32>
    %sub3A_829 = arith.subf %sqrt3A_75, %sub3A_828 : vector<1x512xf32>
    %mul3A_830 = arith.constant 8.000000e-01 : f32
    %mul3A_831 = vector.broadcast %mul3A_830 : f32 to vector<1x512xf32>
    %mul3A_832 = arith.mulf %sub3A_829, %mul3A_831 : vector<1x512xf32>
    %mul3A_833 = arith.mulf %mul3A_832, %mul3A_832 : vector<1x512xf32>
    %neg3A_834 = arith.constant 0.000000e+00 : f32
    %neg3A_835 = vector.broadcast %neg3A_834 : f32 to vector<1x512xf32>
    %neg3A_836 = arith.subf %neg3A_835, %mul3A_833 : vector<1x512xf32>
    %exp3A_837 = math.exp %neg3A_836 : vector<1x512xf32>
    %sub3A_838 = arith.constant 5.33333349 : f32
    %sub3A_839 = vector.broadcast %sub3A_838 : f32 to vector<1x512xf32>
    %sub3A_840 = arith.subf %sqrt3A_75, %sub3A_839 : vector<1x512xf32>
    %mul3A_841 = arith.constant 8.000000e-01 : f32
    %mul3A_842 = vector.broadcast %mul3A_841 : f32 to vector<1x512xf32>
    %mul3A_843 = arith.mulf %sub3A_840, %mul3A_842 : vector<1x512xf32>
    %mul3A_844 = arith.mulf %mul3A_843, %mul3A_843 : vector<1x512xf32>
    %neg3A_845 = arith.constant 0.000000e+00 : f32
    %neg3A_846 = vector.broadcast %neg3A_845 : f32 to vector<1x512xf32>
    %neg3A_847 = arith.subf %neg3A_846, %mul3A_844 : vector<1x512xf32>
    %exp3A_848 = math.exp %neg3A_847 : vector<1x512xf32>
    %sub3A_849 = arith.constant 6.66666651 : f32
    %sub3A_850 = vector.broadcast %sub3A_849 : f32 to vector<1x512xf32>
    %sub3A_851 = arith.subf %sqrt3A_75, %sub3A_850 : vector<1x512xf32>
    %mul3A_852 = arith.constant 8.000000e-01 : f32
    %mul3A_853 = vector.broadcast %mul3A_852 : f32 to vector<1x512xf32>
    %mul3A_854 = arith.mulf %sub3A_851, %mul3A_853 : vector<1x512xf32>
    %mul3A_855 = arith.mulf %mul3A_854, %mul3A_854 : vector<1x512xf32>
    %neg3A_856 = arith.constant 0.000000e+00 : f32
    %neg3A_857 = vector.broadcast %neg3A_856 : f32 to vector<1x512xf32>
    %neg3A_858 = arith.subf %neg3A_857, %mul3A_855 : vector<1x512xf32>
    %exp3A_859 = math.exp %neg3A_858 : vector<1x512xf32>
    %sub3A_860 = arith.constant 8.000000e+00 : f32
    %sub3A_861 = vector.broadcast %sub3A_860 : f32 to vector<1x512xf32>
    %sub3A_862 = arith.subf %sqrt3A_75, %sub3A_861 : vector<1x512xf32>
    %mul3A_863 = arith.constant 8.000000e-01 : f32
    %mul3A_864 = vector.broadcast %mul3A_863 : f32 to vector<1x512xf32>
    %mul3A_865 = arith.mulf %sub3A_862, %mul3A_864 : vector<1x512xf32>
    %mul3A_866 = arith.mulf %mul3A_865, %mul3A_865 : vector<1x512xf32>
    %neg3A_867 = arith.constant 0.000000e+00 : f32
    %neg3A_868 = vector.broadcast %neg3A_867 : f32 to vector<1x512xf32>
    %neg3A_869 = arith.subf %neg3A_868, %mul3A_866 : vector<1x512xf32>
    %exp3A_870 = math.exp %neg3A_869 : vector<1x512xf32>
    %sub3A_871 = arith.constant 9.33333301 : f32
    %sub3A_872 = vector.broadcast %sub3A_871 : f32 to vector<1x512xf32>
    %sub3A_873 = arith.subf %sqrt3A_75, %sub3A_872 : vector<1x512xf32>
    %mul3A_874 = arith.constant 8.000000e-01 : f32
    %mul3A_875 = vector.broadcast %mul3A_874 : f32 to vector<1x512xf32>
    %mul3A_876 = arith.mulf %sub3A_873, %mul3A_875 : vector<1x512xf32>
    %mul3A_877 = arith.mulf %mul3A_876, %mul3A_876 : vector<1x512xf32>
    %neg3A_878 = arith.constant 0.000000e+00 : f32
    %neg3A_879 = vector.broadcast %neg3A_878 : f32 to vector<1x512xf32>
    %neg3A_880 = arith.subf %neg3A_879, %mul3A_877 : vector<1x512xf32>
    %exp3A_881 = math.exp %neg3A_880 : vector<1x512xf32>
    %sub3A_882 = arith.constant 10.666667 : f32
    %sub3A_883 = vector.broadcast %sub3A_882 : f32 to vector<1x512xf32>
    %sub3A_884 = arith.subf %sqrt3A_75, %sub3A_883 : vector<1x512xf32>
    %mul3A_885 = arith.constant 8.000000e-01 : f32
    %mul3A_886 = vector.broadcast %mul3A_885 : f32 to vector<1x512xf32>
    %mul3A_887 = arith.mulf %sub3A_884, %mul3A_886 : vector<1x512xf32>
    %mul3A_888 = arith.mulf %mul3A_887, %mul3A_887 : vector<1x512xf32>
    %neg3A_889 = arith.constant 0.000000e+00 : f32
    %neg3A_890 = vector.broadcast %neg3A_889 : f32 to vector<1x512xf32>
    %neg3A_891 = arith.subf %neg3A_890, %mul3A_888 : vector<1x512xf32>
    %exp3A_892 = math.exp %neg3A_891 : vector<1x512xf32>
    %sub3A_893 = arith.constant 1.200000e+01 : f32
    %sub3A_894 = vector.broadcast %sub3A_893 : f32 to vector<1x512xf32>
    %sub3A_895 = arith.subf %sqrt3A_75, %sub3A_894 : vector<1x512xf32>
    %mul3A_896 = arith.constant 8.000000e-01 : f32
    %mul3A_897 = vector.broadcast %mul3A_896 : f32 to vector<1x512xf32>
    %mul3A_898 = arith.mulf %sub3A_895, %mul3A_897 : vector<1x512xf32>
    %mul3A_899 = arith.mulf %mul3A_898, %mul3A_898 : vector<1x512xf32>
    %neg3A_900 = arith.constant 0.000000e+00 : f32
    %neg3A_901 = vector.broadcast %neg3A_900 : f32 to vector<1x512xf32>
    %neg3A_902 = arith.subf %neg3A_901, %mul3A_899 : vector<1x512xf32>
    %exp3A_903 = math.exp %neg3A_902 : vector<1x512xf32>
    %sub3A_904 = arith.constant 13.333333 : f32
    %sub3A_905 = vector.broadcast %sub3A_904 : f32 to vector<1x512xf32>
    %sub3A_906 = arith.subf %sqrt3A_75, %sub3A_905 : vector<1x512xf32>
    %mul3A_907 = arith.constant 8.000000e-01 : f32
    %mul3A_908 = vector.broadcast %mul3A_907 : f32 to vector<1x512xf32>
    %mul3A_909 = arith.mulf %sub3A_906, %mul3A_908 : vector<1x512xf32>
    %mul3A_910 = arith.mulf %mul3A_909, %mul3A_909 : vector<1x512xf32>
    %neg3A_911 = arith.constant 0.000000e+00 : f32
    %neg3A_912 = vector.broadcast %neg3A_911 : f32 to vector<1x512xf32>
    %neg3A_913 = arith.subf %neg3A_912, %mul3A_910 : vector<1x512xf32>
    %exp3A_914 = math.exp %neg3A_913 : vector<1x512xf32>
    %sub3A_915 = arith.constant 14.666667 : f32
    %sub3A_916 = vector.broadcast %sub3A_915 : f32 to vector<1x512xf32>
    %sub3A_917 = arith.subf %sqrt3A_75, %sub3A_916 : vector<1x512xf32>
    %mul3A_918 = arith.constant 8.000000e-01 : f32
    %mul3A_919 = vector.broadcast %mul3A_918 : f32 to vector<1x512xf32>
    %mul3A_920 = arith.mulf %sub3A_917, %mul3A_919 : vector<1x512xf32>
    %mul3A_921 = arith.mulf %mul3A_920, %mul3A_920 : vector<1x512xf32>
    %neg3A_922 = arith.constant 0.000000e+00 : f32
    %neg3A_923 = vector.broadcast %neg3A_922 : f32 to vector<1x512xf32>
    %neg3A_924 = arith.subf %neg3A_923, %mul3A_921 : vector<1x512xf32>
    %exp3A_925 = math.exp %neg3A_924 : vector<1x512xf32>
    %sub3A_926 = arith.constant 1.600000e+01 : f32
    %sub3A_927 = vector.broadcast %sub3A_926 : f32 to vector<1x512xf32>
    %sub3A_928 = arith.subf %sqrt3A_75, %sub3A_927 : vector<1x512xf32>
    %mul3A_929 = arith.constant 8.000000e-01 : f32
    %mul3A_930 = vector.broadcast %mul3A_929 : f32 to vector<1x512xf32>
    %mul3A_931 = arith.mulf %sub3A_928, %mul3A_930 : vector<1x512xf32>
    %mul3A_932 = arith.mulf %mul3A_931, %mul3A_931 : vector<1x512xf32>
    %neg3A_933 = arith.constant 0.000000e+00 : f32
    %neg3A_934 = vector.broadcast %neg3A_933 : f32 to vector<1x512xf32>
    %neg3A_935 = arith.subf %neg3A_934, %mul3A_932 : vector<1x512xf32>
    %exp3A_936 = math.exp %neg3A_935 : vector<1x512xf32>
    %sub3A_937 = arith.constant 17.333334 : f32
    %sub3A_938 = vector.broadcast %sub3A_937 : f32 to vector<1x512xf32>
    %sub3A_939 = arith.subf %sqrt3A_75, %sub3A_938 : vector<1x512xf32>
    %mul3A_940 = arith.constant 8.000000e-01 : f32
    %mul3A_941 = vector.broadcast %mul3A_940 : f32 to vector<1x512xf32>
    %mul3A_942 = arith.mulf %sub3A_939, %mul3A_941 : vector<1x512xf32>
    %mul3A_943 = arith.mulf %mul3A_942, %mul3A_942 : vector<1x512xf32>
    %neg3A_944 = arith.constant 0.000000e+00 : f32
    %neg3A_945 = vector.broadcast %neg3A_944 : f32 to vector<1x512xf32>
    %neg3A_946 = arith.subf %neg3A_945, %mul3A_943 : vector<1x512xf32>
    %exp3A_947 = math.exp %neg3A_946 : vector<1x512xf32>
    %sub3A_948 = arith.constant 18.666666 : f32
    %sub3A_949 = vector.broadcast %sub3A_948 : f32 to vector<1x512xf32>
    %sub3A_950 = arith.subf %sqrt3A_75, %sub3A_949 : vector<1x512xf32>
    %mul3A_951 = arith.constant 8.000000e-01 : f32
    %mul3A_952 = vector.broadcast %mul3A_951 : f32 to vector<1x512xf32>
    %mul3A_953 = arith.mulf %sub3A_950, %mul3A_952 : vector<1x512xf32>
    %mul3A_954 = arith.mulf %mul3A_953, %mul3A_953 : vector<1x512xf32>
    %neg3A_955 = arith.constant 0.000000e+00 : f32
    %neg3A_956 = vector.broadcast %neg3A_955 : f32 to vector<1x512xf32>
    %neg3A_957 = arith.subf %neg3A_956, %mul3A_954 : vector<1x512xf32>
    %exp3A_958 = math.exp %neg3A_957 : vector<1x512xf32>
    %sub3A_959 = arith.constant 2.000000e+01 : f32
    %sub3A_960 = vector.broadcast %sub3A_959 : f32 to vector<1x512xf32>
    %sub3A_961 = arith.subf %sqrt3A_75, %sub3A_960 : vector<1x512xf32>
    %mul3A_962 = arith.constant 8.000000e-01 : f32
    %mul3A_963 = vector.broadcast %mul3A_962 : f32 to vector<1x512xf32>
    %mul3A_964 = arith.mulf %sub3A_961, %mul3A_963 : vector<1x512xf32>
    %mul3A_965 = arith.mulf %mul3A_964, %mul3A_964 : vector<1x512xf32>
    %neg3A_966 = arith.constant 0.000000e+00 : f32
    %neg3A_967 = vector.broadcast %neg3A_966 : f32 to vector<1x512xf32>
    %neg3A_968 = arith.subf %neg3A_967, %mul3A_965 : vector<1x512xf32>
    %exp3A_969 = math.exp %neg3A_968 : vector<1x512xf32>
    %sub3A_970 = arith.constant 0.000000e+00 : f32
    %sub3A_971 = vector.broadcast %sub3A_970 : f32 to vector<1x512xf32>
    %sub3A_972 = arith.subf %sqrt3A_81, %sub3A_971 : vector<1x512xf32>
    %mul3A_973 = arith.constant 8.000000e-01 : f32
    %mul3A_974 = vector.broadcast %mul3A_973 : f32 to vector<1x512xf32>
    %mul3A_975 = arith.mulf %sub3A_972, %mul3A_974 : vector<1x512xf32>
    %mul3A_976 = arith.mulf %mul3A_975, %mul3A_975 : vector<1x512xf32>
    %neg3A_977 = arith.constant 0.000000e+00 : f32
    %neg3A_978 = vector.broadcast %neg3A_977 : f32 to vector<1x512xf32>
    %neg3A_979 = arith.subf %neg3A_978, %mul3A_976 : vector<1x512xf32>
    %exp3A_980 = math.exp %neg3A_979 : vector<1x512xf32>
    %sub3A_981 = arith.constant 1.33333337 : f32
    %sub3A_982 = vector.broadcast %sub3A_981 : f32 to vector<1x512xf32>
    %sub3A_983 = arith.subf %sqrt3A_81, %sub3A_982 : vector<1x512xf32>
    %mul3A_984 = arith.constant 8.000000e-01 : f32
    %mul3A_985 = vector.broadcast %mul3A_984 : f32 to vector<1x512xf32>
    %mul3A_986 = arith.mulf %sub3A_983, %mul3A_985 : vector<1x512xf32>
    %mul3A_987 = arith.mulf %mul3A_986, %mul3A_986 : vector<1x512xf32>
    %neg3A_988 = arith.constant 0.000000e+00 : f32
    %neg3A_989 = vector.broadcast %neg3A_988 : f32 to vector<1x512xf32>
    %neg3A_990 = arith.subf %neg3A_989, %mul3A_987 : vector<1x512xf32>
    %exp3A_991 = math.exp %neg3A_990 : vector<1x512xf32>
    %sub3A_992 = arith.constant 2.66666675 : f32
    %sub3A_993 = vector.broadcast %sub3A_992 : f32 to vector<1x512xf32>
    %sub3A_994 = arith.subf %sqrt3A_81, %sub3A_993 : vector<1x512xf32>
    %mul3A_995 = arith.constant 8.000000e-01 : f32
    %mul3A_996 = vector.broadcast %mul3A_995 : f32 to vector<1x512xf32>
    %mul3A_997 = arith.mulf %sub3A_994, %mul3A_996 : vector<1x512xf32>
    %mul3A_998 = arith.mulf %mul3A_997, %mul3A_997 : vector<1x512xf32>
    %neg3A_999 = arith.constant 0.000000e+00 : f32
    %neg3A_1000 = vector.broadcast %neg3A_999 : f32 to vector<1x512xf32>
    %neg3A_1001 = arith.subf %neg3A_1000, %mul3A_998 : vector<1x512xf32>
    %exp3A_1002 = math.exp %neg3A_1001 : vector<1x512xf32>
    %sub3A_1003 = arith.constant 4.000000e+00 : f32
    %sub3A_1004 = vector.broadcast %sub3A_1003 : f32 to vector<1x512xf32>
    %sub3A_1005 = arith.subf %sqrt3A_81, %sub3A_1004 : vector<1x512xf32>
    %mul3A_1006 = arith.constant 8.000000e-01 : f32
    %mul3A_1007 = vector.broadcast %mul3A_1006 : f32 to vector<1x512xf32>
    %mul3A_1008 = arith.mulf %sub3A_1005, %mul3A_1007 : vector<1x512xf32>
    %mul3A_1009 = arith.mulf %mul3A_1008, %mul3A_1008 : vector<1x512xf32>
    %neg3A_1010 = arith.constant 0.000000e+00 : f32
    %neg3A_1011 = vector.broadcast %neg3A_1010 : f32 to vector<1x512xf32>
    %neg3A_1012 = arith.subf %neg3A_1011, %mul3A_1009 : vector<1x512xf32>
    %exp3A_1013 = math.exp %neg3A_1012 : vector<1x512xf32>
    %sub3A_1014 = arith.constant 5.33333349 : f32
    %sub3A_1015 = vector.broadcast %sub3A_1014 : f32 to vector<1x512xf32>
    %sub3A_1016 = arith.subf %sqrt3A_81, %sub3A_1015 : vector<1x512xf32>
    %mul3A_1017 = arith.constant 8.000000e-01 : f32
    %mul3A_1018 = vector.broadcast %mul3A_1017 : f32 to vector<1x512xf32>
    %mul3A_1019 = arith.mulf %sub3A_1016, %mul3A_1018 : vector<1x512xf32>
    %mul3A_1020 = arith.mulf %mul3A_1019, %mul3A_1019 : vector<1x512xf32>
    %neg3A_1021 = arith.constant 0.000000e+00 : f32
    %neg3A_1022 = vector.broadcast %neg3A_1021 : f32 to vector<1x512xf32>
    %neg3A_1023 = arith.subf %neg3A_1022, %mul3A_1020 : vector<1x512xf32>
    %exp3A_1024 = math.exp %neg3A_1023 : vector<1x512xf32>
    %sub3A_1025 = arith.constant 6.66666651 : f32
    %sub3A_1026 = vector.broadcast %sub3A_1025 : f32 to vector<1x512xf32>
    %sub3A_1027 = arith.subf %sqrt3A_81, %sub3A_1026 : vector<1x512xf32>
    %mul3A_1028 = arith.constant 8.000000e-01 : f32
    %mul3A_1029 = vector.broadcast %mul3A_1028 : f32 to vector<1x512xf32>
    %mul3A_1030 = arith.mulf %sub3A_1027, %mul3A_1029 : vector<1x512xf32>
    %mul3A_1031 = arith.mulf %mul3A_1030, %mul3A_1030 : vector<1x512xf32>
    %neg3A_1032 = arith.constant 0.000000e+00 : f32
    %neg3A_1033 = vector.broadcast %neg3A_1032 : f32 to vector<1x512xf32>
    %neg3A_1034 = arith.subf %neg3A_1033, %mul3A_1031 : vector<1x512xf32>
    %exp3A_1035 = math.exp %neg3A_1034 : vector<1x512xf32>
    %sub3A_1036 = arith.constant 8.000000e+00 : f32
    %sub3A_1037 = vector.broadcast %sub3A_1036 : f32 to vector<1x512xf32>
    %sub3A_1038 = arith.subf %sqrt3A_81, %sub3A_1037 : vector<1x512xf32>
    %mul3A_1039 = arith.constant 8.000000e-01 : f32
    %mul3A_1040 = vector.broadcast %mul3A_1039 : f32 to vector<1x512xf32>
    %mul3A_1041 = arith.mulf %sub3A_1038, %mul3A_1040 : vector<1x512xf32>
    %mul3A_1042 = arith.mulf %mul3A_1041, %mul3A_1041 : vector<1x512xf32>
    %neg3A_1043 = arith.constant 0.000000e+00 : f32
    %neg3A_1044 = vector.broadcast %neg3A_1043 : f32 to vector<1x512xf32>
    %neg3A_1045 = arith.subf %neg3A_1044, %mul3A_1042 : vector<1x512xf32>
    %exp3A_1046 = math.exp %neg3A_1045 : vector<1x512xf32>
    %sub3A_1047 = arith.constant 9.33333301 : f32
    %sub3A_1048 = vector.broadcast %sub3A_1047 : f32 to vector<1x512xf32>
    %sub3A_1049 = arith.subf %sqrt3A_81, %sub3A_1048 : vector<1x512xf32>
    %mul3A_1050 = arith.constant 8.000000e-01 : f32
    %mul3A_1051 = vector.broadcast %mul3A_1050 : f32 to vector<1x512xf32>
    %mul3A_1052 = arith.mulf %sub3A_1049, %mul3A_1051 : vector<1x512xf32>
    %mul3A_1053 = arith.mulf %mul3A_1052, %mul3A_1052 : vector<1x512xf32>
    %neg3A_1054 = arith.constant 0.000000e+00 : f32
    %neg3A_1055 = vector.broadcast %neg3A_1054 : f32 to vector<1x512xf32>
    %neg3A_1056 = arith.subf %neg3A_1055, %mul3A_1053 : vector<1x512xf32>
    %exp3A_1057 = math.exp %neg3A_1056 : vector<1x512xf32>
    %sub3A_1058 = arith.constant 10.666667 : f32
    %sub3A_1059 = vector.broadcast %sub3A_1058 : f32 to vector<1x512xf32>
    %sub3A_1060 = arith.subf %sqrt3A_81, %sub3A_1059 : vector<1x512xf32>
    %mul3A_1061 = arith.constant 8.000000e-01 : f32
    %mul3A_1062 = vector.broadcast %mul3A_1061 : f32 to vector<1x512xf32>
    %mul3A_1063 = arith.mulf %sub3A_1060, %mul3A_1062 : vector<1x512xf32>
    %mul3A_1064 = arith.mulf %mul3A_1063, %mul3A_1063 : vector<1x512xf32>
    %neg3A_1065 = arith.constant 0.000000e+00 : f32
    %neg3A_1066 = vector.broadcast %neg3A_1065 : f32 to vector<1x512xf32>
    %neg3A_1067 = arith.subf %neg3A_1066, %mul3A_1064 : vector<1x512xf32>
    %exp3A_1068 = math.exp %neg3A_1067 : vector<1x512xf32>
    %sub3A_1069 = arith.constant 1.200000e+01 : f32
    %sub3A_1070 = vector.broadcast %sub3A_1069 : f32 to vector<1x512xf32>
    %sub3A_1071 = arith.subf %sqrt3A_81, %sub3A_1070 : vector<1x512xf32>
    %mul3A_1072 = arith.constant 8.000000e-01 : f32
    %mul3A_1073 = vector.broadcast %mul3A_1072 : f32 to vector<1x512xf32>
    %mul3A_1074 = arith.mulf %sub3A_1071, %mul3A_1073 : vector<1x512xf32>
    %mul3A_1075 = arith.mulf %mul3A_1074, %mul3A_1074 : vector<1x512xf32>
    %neg3A_1076 = arith.constant 0.000000e+00 : f32
    %neg3A_1077 = vector.broadcast %neg3A_1076 : f32 to vector<1x512xf32>
    %neg3A_1078 = arith.subf %neg3A_1077, %mul3A_1075 : vector<1x512xf32>
    %exp3A_1079 = math.exp %neg3A_1078 : vector<1x512xf32>
    %sub3A_1080 = arith.constant 13.333333 : f32
    %sub3A_1081 = vector.broadcast %sub3A_1080 : f32 to vector<1x512xf32>
    %sub3A_1082 = arith.subf %sqrt3A_81, %sub3A_1081 : vector<1x512xf32>
    %mul3A_1083 = arith.constant 8.000000e-01 : f32
    %mul3A_1084 = vector.broadcast %mul3A_1083 : f32 to vector<1x512xf32>
    %mul3A_1085 = arith.mulf %sub3A_1082, %mul3A_1084 : vector<1x512xf32>
    %mul3A_1086 = arith.mulf %mul3A_1085, %mul3A_1085 : vector<1x512xf32>
    %neg3A_1087 = arith.constant 0.000000e+00 : f32
    %neg3A_1088 = vector.broadcast %neg3A_1087 : f32 to vector<1x512xf32>
    %neg3A_1089 = arith.subf %neg3A_1088, %mul3A_1086 : vector<1x512xf32>
    %exp3A_1090 = math.exp %neg3A_1089 : vector<1x512xf32>
    %sub3A_1091 = arith.constant 14.666667 : f32
    %sub3A_1092 = vector.broadcast %sub3A_1091 : f32 to vector<1x512xf32>
    %sub3A_1093 = arith.subf %sqrt3A_81, %sub3A_1092 : vector<1x512xf32>
    %mul3A_1094 = arith.constant 8.000000e-01 : f32
    %mul3A_1095 = vector.broadcast %mul3A_1094 : f32 to vector<1x512xf32>
    %mul3A_1096 = arith.mulf %sub3A_1093, %mul3A_1095 : vector<1x512xf32>
    %mul3A_1097 = arith.mulf %mul3A_1096, %mul3A_1096 : vector<1x512xf32>
    %neg3A_1098 = arith.constant 0.000000e+00 : f32
    %neg3A_1099 = vector.broadcast %neg3A_1098 : f32 to vector<1x512xf32>
    %neg3A_1100 = arith.subf %neg3A_1099, %mul3A_1097 : vector<1x512xf32>
    %exp3A_1101 = math.exp %neg3A_1100 : vector<1x512xf32>
    %sub3A_1102 = arith.constant 1.600000e+01 : f32
    %sub3A_1103 = vector.broadcast %sub3A_1102 : f32 to vector<1x512xf32>
    %sub3A_1104 = arith.subf %sqrt3A_81, %sub3A_1103 : vector<1x512xf32>
    %mul3A_1105 = arith.constant 8.000000e-01 : f32
    %mul3A_1106 = vector.broadcast %mul3A_1105 : f32 to vector<1x512xf32>
    %mul3A_1107 = arith.mulf %sub3A_1104, %mul3A_1106 : vector<1x512xf32>
    %mul3A_1108 = arith.mulf %mul3A_1107, %mul3A_1107 : vector<1x512xf32>
    %neg3A_1109 = arith.constant 0.000000e+00 : f32
    %neg3A_1110 = vector.broadcast %neg3A_1109 : f32 to vector<1x512xf32>
    %neg3A_1111 = arith.subf %neg3A_1110, %mul3A_1108 : vector<1x512xf32>
    %exp3A_1112 = math.exp %neg3A_1111 : vector<1x512xf32>
    %sub3A_1113 = arith.constant 17.333334 : f32
    %sub3A_1114 = vector.broadcast %sub3A_1113 : f32 to vector<1x512xf32>
    %sub3A_1115 = arith.subf %sqrt3A_81, %sub3A_1114 : vector<1x512xf32>
    %mul3A_1116 = arith.constant 8.000000e-01 : f32
    %mul3A_1117 = vector.broadcast %mul3A_1116 : f32 to vector<1x512xf32>
    %mul3A_1118 = arith.mulf %sub3A_1115, %mul3A_1117 : vector<1x512xf32>
    %mul3A_1119 = arith.mulf %mul3A_1118, %mul3A_1118 : vector<1x512xf32>
    %neg3A_1120 = arith.constant 0.000000e+00 : f32
    %neg3A_1121 = vector.broadcast %neg3A_1120 : f32 to vector<1x512xf32>
    %neg3A_1122 = arith.subf %neg3A_1121, %mul3A_1119 : vector<1x512xf32>
    %exp3A_1123 = math.exp %neg3A_1122 : vector<1x512xf32>
    %sub3A_1124 = arith.constant 18.666666 : f32
    %sub3A_1125 = vector.broadcast %sub3A_1124 : f32 to vector<1x512xf32>
    %sub3A_1126 = arith.subf %sqrt3A_81, %sub3A_1125 : vector<1x512xf32>
    %mul3A_1127 = arith.constant 8.000000e-01 : f32
    %mul3A_1128 = vector.broadcast %mul3A_1127 : f32 to vector<1x512xf32>
    %mul3A_1129 = arith.mulf %sub3A_1126, %mul3A_1128 : vector<1x512xf32>
    %mul3A_1130 = arith.mulf %mul3A_1129, %mul3A_1129 : vector<1x512xf32>
    %neg3A_1131 = arith.constant 0.000000e+00 : f32
    %neg3A_1132 = vector.broadcast %neg3A_1131 : f32 to vector<1x512xf32>
    %neg3A_1133 = arith.subf %neg3A_1132, %mul3A_1130 : vector<1x512xf32>
    %exp3A_1134 = math.exp %neg3A_1133 : vector<1x512xf32>
    %sub3A_1135 = arith.constant 2.000000e+01 : f32
    %sub3A_1136 = vector.broadcast %sub3A_1135 : f32 to vector<1x512xf32>
    %sub3A_1137 = arith.subf %sqrt3A_81, %sub3A_1136 : vector<1x512xf32>
    %mul3A_1138 = arith.constant 8.000000e-01 : f32
    %mul3A_1139 = vector.broadcast %mul3A_1138 : f32 to vector<1x512xf32>
    %mul3A_1140 = arith.mulf %sub3A_1137, %mul3A_1139 : vector<1x512xf32>
    %mul3A_1141 = arith.mulf %mul3A_1140, %mul3A_1140 : vector<1x512xf32>
    %neg3A_1142 = arith.constant 0.000000e+00 : f32
    %neg3A_1143 = vector.broadcast %neg3A_1142 : f32 to vector<1x512xf32>
    %neg3A_1144 = arith.subf %neg3A_1143, %mul3A_1141 : vector<1x512xf32>
    %exp3A_1145 = math.exp %neg3A_1144 : vector<1x512xf32>
    %sub3A_1146 = arith.constant 0.000000e+00 : f32
    %sub3A_1147 = vector.broadcast %sub3A_1146 : f32 to vector<1x512xf32>
    %sub3A_1148 = arith.subf %sqrt3A_87, %sub3A_1147 : vector<1x512xf32>
    %mul3A_1149 = arith.constant 8.000000e-01 : f32
    %mul3A_1150 = vector.broadcast %mul3A_1149 : f32 to vector<1x512xf32>
    %mul3A_1151 = arith.mulf %sub3A_1148, %mul3A_1150 : vector<1x512xf32>
    %mul3A_1152 = arith.mulf %mul3A_1151, %mul3A_1151 : vector<1x512xf32>
    %neg3A_1153 = arith.constant 0.000000e+00 : f32
    %neg3A_1154 = vector.broadcast %neg3A_1153 : f32 to vector<1x512xf32>
    %neg3A_1155 = arith.subf %neg3A_1154, %mul3A_1152 : vector<1x512xf32>
    %exp3A_1156 = math.exp %neg3A_1155 : vector<1x512xf32>
    %sub3A_1157 = arith.constant 1.33333337 : f32
    %sub3A_1158 = vector.broadcast %sub3A_1157 : f32 to vector<1x512xf32>
    %sub3A_1159 = arith.subf %sqrt3A_87, %sub3A_1158 : vector<1x512xf32>
    %mul3A_1160 = arith.constant 8.000000e-01 : f32
    %mul3A_1161 = vector.broadcast %mul3A_1160 : f32 to vector<1x512xf32>
    %mul3A_1162 = arith.mulf %sub3A_1159, %mul3A_1161 : vector<1x512xf32>
    %mul3A_1163 = arith.mulf %mul3A_1162, %mul3A_1162 : vector<1x512xf32>
    %neg3A_1164 = arith.constant 0.000000e+00 : f32
    %neg3A_1165 = vector.broadcast %neg3A_1164 : f32 to vector<1x512xf32>
    %neg3A_1166 = arith.subf %neg3A_1165, %mul3A_1163 : vector<1x512xf32>
    %exp3A_1167 = math.exp %neg3A_1166 : vector<1x512xf32>
    %sub3A_1168 = arith.constant 2.66666675 : f32
    %sub3A_1169 = vector.broadcast %sub3A_1168 : f32 to vector<1x512xf32>
    %sub3A_1170 = arith.subf %sqrt3A_87, %sub3A_1169 : vector<1x512xf32>
    %mul3A_1171 = arith.constant 8.000000e-01 : f32
    %mul3A_1172 = vector.broadcast %mul3A_1171 : f32 to vector<1x512xf32>
    %mul3A_1173 = arith.mulf %sub3A_1170, %mul3A_1172 : vector<1x512xf32>
    %mul3A_1174 = arith.mulf %mul3A_1173, %mul3A_1173 : vector<1x512xf32>
    %neg3A_1175 = arith.constant 0.000000e+00 : f32
    %neg3A_1176 = vector.broadcast %neg3A_1175 : f32 to vector<1x512xf32>
    %neg3A_1177 = arith.subf %neg3A_1176, %mul3A_1174 : vector<1x512xf32>
    %exp3A_1178 = math.exp %neg3A_1177 : vector<1x512xf32>
    %sub3A_1179 = arith.constant 4.000000e+00 : f32
    %sub3A_1180 = vector.broadcast %sub3A_1179 : f32 to vector<1x512xf32>
    %sub3A_1181 = arith.subf %sqrt3A_87, %sub3A_1180 : vector<1x512xf32>
    %mul3A_1182 = arith.constant 8.000000e-01 : f32
    %mul3A_1183 = vector.broadcast %mul3A_1182 : f32 to vector<1x512xf32>
    %mul3A_1184 = arith.mulf %sub3A_1181, %mul3A_1183 : vector<1x512xf32>
    %mul3A_1185 = arith.mulf %mul3A_1184, %mul3A_1184 : vector<1x512xf32>
    %neg3A_1186 = arith.constant 0.000000e+00 : f32
    %neg3A_1187 = vector.broadcast %neg3A_1186 : f32 to vector<1x512xf32>
    %neg3A_1188 = arith.subf %neg3A_1187, %mul3A_1185 : vector<1x512xf32>
    %exp3A_1189 = math.exp %neg3A_1188 : vector<1x512xf32>
    %sub3A_1190 = arith.constant 5.33333349 : f32
    %sub3A_1191 = vector.broadcast %sub3A_1190 : f32 to vector<1x512xf32>
    %sub3A_1192 = arith.subf %sqrt3A_87, %sub3A_1191 : vector<1x512xf32>
    %mul3A_1193 = arith.constant 8.000000e-01 : f32
    %mul3A_1194 = vector.broadcast %mul3A_1193 : f32 to vector<1x512xf32>
    %mul3A_1195 = arith.mulf %sub3A_1192, %mul3A_1194 : vector<1x512xf32>
    %mul3A_1196 = arith.mulf %mul3A_1195, %mul3A_1195 : vector<1x512xf32>
    %neg3A_1197 = arith.constant 0.000000e+00 : f32
    %neg3A_1198 = vector.broadcast %neg3A_1197 : f32 to vector<1x512xf32>
    %neg3A_1199 = arith.subf %neg3A_1198, %mul3A_1196 : vector<1x512xf32>
    %exp3A_1200 = math.exp %neg3A_1199 : vector<1x512xf32>
    %sub3A_1201 = arith.constant 6.66666651 : f32
    %sub3A_1202 = vector.broadcast %sub3A_1201 : f32 to vector<1x512xf32>
    %sub3A_1203 = arith.subf %sqrt3A_87, %sub3A_1202 : vector<1x512xf32>
    %mul3A_1204 = arith.constant 8.000000e-01 : f32
    %mul3A_1205 = vector.broadcast %mul3A_1204 : f32 to vector<1x512xf32>
    %mul3A_1206 = arith.mulf %sub3A_1203, %mul3A_1205 : vector<1x512xf32>
    %mul3A_1207 = arith.mulf %mul3A_1206, %mul3A_1206 : vector<1x512xf32>
    %neg3A_1208 = arith.constant 0.000000e+00 : f32
    %neg3A_1209 = vector.broadcast %neg3A_1208 : f32 to vector<1x512xf32>
    %neg3A_1210 = arith.subf %neg3A_1209, %mul3A_1207 : vector<1x512xf32>
    %exp3A_1211 = math.exp %neg3A_1210 : vector<1x512xf32>
    %sub3A_1212 = arith.constant 8.000000e+00 : f32
    %sub3A_1213 = vector.broadcast %sub3A_1212 : f32 to vector<1x512xf32>
    %sub3A_1214 = arith.subf %sqrt3A_87, %sub3A_1213 : vector<1x512xf32>
    %mul3A_1215 = arith.constant 8.000000e-01 : f32
    %mul3A_1216 = vector.broadcast %mul3A_1215 : f32 to vector<1x512xf32>
    %mul3A_1217 = arith.mulf %sub3A_1214, %mul3A_1216 : vector<1x512xf32>
    %mul3A_1218 = arith.mulf %mul3A_1217, %mul3A_1217 : vector<1x512xf32>
    %neg3A_1219 = arith.constant 0.000000e+00 : f32
    %neg3A_1220 = vector.broadcast %neg3A_1219 : f32 to vector<1x512xf32>
    %neg3A_1221 = arith.subf %neg3A_1220, %mul3A_1218 : vector<1x512xf32>
    %exp3A_1222 = math.exp %neg3A_1221 : vector<1x512xf32>
    %sub3A_1223 = arith.constant 9.33333301 : f32
    %sub3A_1224 = vector.broadcast %sub3A_1223 : f32 to vector<1x512xf32>
    %sub3A_1225 = arith.subf %sqrt3A_87, %sub3A_1224 : vector<1x512xf32>
    %mul3A_1226 = arith.constant 8.000000e-01 : f32
    %mul3A_1227 = vector.broadcast %mul3A_1226 : f32 to vector<1x512xf32>
    %mul3A_1228 = arith.mulf %sub3A_1225, %mul3A_1227 : vector<1x512xf32>
    %mul3A_1229 = arith.mulf %mul3A_1228, %mul3A_1228 : vector<1x512xf32>
    %neg3A_1230 = arith.constant 0.000000e+00 : f32
    %neg3A_1231 = vector.broadcast %neg3A_1230 : f32 to vector<1x512xf32>
    %neg3A_1232 = arith.subf %neg3A_1231, %mul3A_1229 : vector<1x512xf32>
    %exp3A_1233 = math.exp %neg3A_1232 : vector<1x512xf32>
    %sub3A_1234 = arith.constant 10.666667 : f32
    %sub3A_1235 = vector.broadcast %sub3A_1234 : f32 to vector<1x512xf32>
    %sub3A_1236 = arith.subf %sqrt3A_87, %sub3A_1235 : vector<1x512xf32>
    %mul3A_1237 = arith.constant 8.000000e-01 : f32
    %mul3A_1238 = vector.broadcast %mul3A_1237 : f32 to vector<1x512xf32>
    %mul3A_1239 = arith.mulf %sub3A_1236, %mul3A_1238 : vector<1x512xf32>
    %mul3A_1240 = arith.mulf %mul3A_1239, %mul3A_1239 : vector<1x512xf32>
    %neg3A_1241 = arith.constant 0.000000e+00 : f32
    %neg3A_1242 = vector.broadcast %neg3A_1241 : f32 to vector<1x512xf32>
    %neg3A_1243 = arith.subf %neg3A_1242, %mul3A_1240 : vector<1x512xf32>
    %exp3A_1244 = math.exp %neg3A_1243 : vector<1x512xf32>
    %sub3A_1245 = arith.constant 1.200000e+01 : f32
    %sub3A_1246 = vector.broadcast %sub3A_1245 : f32 to vector<1x512xf32>
    %sub3A_1247 = arith.subf %sqrt3A_87, %sub3A_1246 : vector<1x512xf32>
    %mul3A_1248 = arith.constant 8.000000e-01 : f32
    %mul3A_1249 = vector.broadcast %mul3A_1248 : f32 to vector<1x512xf32>
    %mul3A_1250 = arith.mulf %sub3A_1247, %mul3A_1249 : vector<1x512xf32>
    %mul3A_1251 = arith.mulf %mul3A_1250, %mul3A_1250 : vector<1x512xf32>
    %neg3A_1252 = arith.constant 0.000000e+00 : f32
    %neg3A_1253 = vector.broadcast %neg3A_1252 : f32 to vector<1x512xf32>
    %neg3A_1254 = arith.subf %neg3A_1253, %mul3A_1251 : vector<1x512xf32>
    %exp3A_1255 = math.exp %neg3A_1254 : vector<1x512xf32>
    %sub3A_1256 = arith.constant 13.333333 : f32
    %sub3A_1257 = vector.broadcast %sub3A_1256 : f32 to vector<1x512xf32>
    %sub3A_1258 = arith.subf %sqrt3A_87, %sub3A_1257 : vector<1x512xf32>
    %mul3A_1259 = arith.constant 8.000000e-01 : f32
    %mul3A_1260 = vector.broadcast %mul3A_1259 : f32 to vector<1x512xf32>
    %mul3A_1261 = arith.mulf %sub3A_1258, %mul3A_1260 : vector<1x512xf32>
    %mul3A_1262 = arith.mulf %mul3A_1261, %mul3A_1261 : vector<1x512xf32>
    %neg3A_1263 = arith.constant 0.000000e+00 : f32
    %neg3A_1264 = vector.broadcast %neg3A_1263 : f32 to vector<1x512xf32>
    %neg3A_1265 = arith.subf %neg3A_1264, %mul3A_1262 : vector<1x512xf32>
    %exp3A_1266 = math.exp %neg3A_1265 : vector<1x512xf32>
    %sub3A_1267 = arith.constant 14.666667 : f32
    %sub3A_1268 = vector.broadcast %sub3A_1267 : f32 to vector<1x512xf32>
    %sub3A_1269 = arith.subf %sqrt3A_87, %sub3A_1268 : vector<1x512xf32>
    %mul3A_1270 = arith.constant 8.000000e-01 : f32
    %mul3A_1271 = vector.broadcast %mul3A_1270 : f32 to vector<1x512xf32>
    %mul3A_1272 = arith.mulf %sub3A_1269, %mul3A_1271 : vector<1x512xf32>
    %mul3A_1273 = arith.mulf %mul3A_1272, %mul3A_1272 : vector<1x512xf32>
    %neg3A_1274 = arith.constant 0.000000e+00 : f32
    %neg3A_1275 = vector.broadcast %neg3A_1274 : f32 to vector<1x512xf32>
    %neg3A_1276 = arith.subf %neg3A_1275, %mul3A_1273 : vector<1x512xf32>
    %exp3A_1277 = math.exp %neg3A_1276 : vector<1x512xf32>
    %sub3A_1278 = arith.constant 1.600000e+01 : f32
    %sub3A_1279 = vector.broadcast %sub3A_1278 : f32 to vector<1x512xf32>
    %sub3A_1280 = arith.subf %sqrt3A_87, %sub3A_1279 : vector<1x512xf32>
    %mul3A_1281 = arith.constant 8.000000e-01 : f32
    %mul3A_1282 = vector.broadcast %mul3A_1281 : f32 to vector<1x512xf32>
    %mul3A_1283 = arith.mulf %sub3A_1280, %mul3A_1282 : vector<1x512xf32>
    %mul3A_1284 = arith.mulf %mul3A_1283, %mul3A_1283 : vector<1x512xf32>
    %neg3A_1285 = arith.constant 0.000000e+00 : f32
    %neg3A_1286 = vector.broadcast %neg3A_1285 : f32 to vector<1x512xf32>
    %neg3A_1287 = arith.subf %neg3A_1286, %mul3A_1284 : vector<1x512xf32>
    %exp3A_1288 = math.exp %neg3A_1287 : vector<1x512xf32>
    %sub3A_1289 = arith.constant 17.333334 : f32
    %sub3A_1290 = vector.broadcast %sub3A_1289 : f32 to vector<1x512xf32>
    %sub3A_1291 = arith.subf %sqrt3A_87, %sub3A_1290 : vector<1x512xf32>
    %mul3A_1292 = arith.constant 8.000000e-01 : f32
    %mul3A_1293 = vector.broadcast %mul3A_1292 : f32 to vector<1x512xf32>
    %mul3A_1294 = arith.mulf %sub3A_1291, %mul3A_1293 : vector<1x512xf32>
    %mul3A_1295 = arith.mulf %mul3A_1294, %mul3A_1294 : vector<1x512xf32>
    %neg3A_1296 = arith.constant 0.000000e+00 : f32
    %neg3A_1297 = vector.broadcast %neg3A_1296 : f32 to vector<1x512xf32>
    %neg3A_1298 = arith.subf %neg3A_1297, %mul3A_1295 : vector<1x512xf32>
    %exp3A_1299 = math.exp %neg3A_1298 : vector<1x512xf32>
    %sub3A_1300 = arith.constant 18.666666 : f32
    %sub3A_1301 = vector.broadcast %sub3A_1300 : f32 to vector<1x512xf32>
    %sub3A_1302 = arith.subf %sqrt3A_87, %sub3A_1301 : vector<1x512xf32>
    %mul3A_1303 = arith.constant 8.000000e-01 : f32
    %mul3A_1304 = vector.broadcast %mul3A_1303 : f32 to vector<1x512xf32>
    %mul3A_1305 = arith.mulf %sub3A_1302, %mul3A_1304 : vector<1x512xf32>
    %mul3A_1306 = arith.mulf %mul3A_1305, %mul3A_1305 : vector<1x512xf32>
    %neg3A_1307 = arith.constant 0.000000e+00 : f32
    %neg3A_1308 = vector.broadcast %neg3A_1307 : f32 to vector<1x512xf32>
    %neg3A_1309 = arith.subf %neg3A_1308, %mul3A_1306 : vector<1x512xf32>
    %exp3A_1310 = math.exp %neg3A_1309 : vector<1x512xf32>
    %sub3A_1311 = arith.constant 2.000000e+01 : f32
    %sub3A_1312 = vector.broadcast %sub3A_1311 : f32 to vector<1x512xf32>
    %sub3A_1313 = arith.subf %sqrt3A_87, %sub3A_1312 : vector<1x512xf32>
    %mul3A_1314 = arith.constant 8.000000e-01 : f32
    %mul3A_1315 = vector.broadcast %mul3A_1314 : f32 to vector<1x512xf32>
    %mul3A_1316 = arith.mulf %sub3A_1313, %mul3A_1315 : vector<1x512xf32>
    %mul3A_1317 = arith.mulf %mul3A_1316, %mul3A_1316 : vector<1x512xf32>
    %neg3A_1318 = arith.constant 0.000000e+00 : f32
    %neg3A_1319 = vector.broadcast %neg3A_1318 : f32 to vector<1x512xf32>
    %neg3A_1320 = arith.subf %neg3A_1319, %mul3A_1317 : vector<1x512xf32>
    %exp3A_1321 = math.exp %neg3A_1320 : vector<1x512xf32>
    %sub3A_1322 = arith.constant 0.000000e+00 : f32
    %sub3A_1323 = vector.broadcast %sub3A_1322 : f32 to vector<1x512xf32>
    %sub3A_1324 = arith.subf %sqrt3A_93, %sub3A_1323 : vector<1x512xf32>
    %mul3A_1325 = arith.constant 8.000000e-01 : f32
    %mul3A_1326 = vector.broadcast %mul3A_1325 : f32 to vector<1x512xf32>
    %mul3A_1327 = arith.mulf %sub3A_1324, %mul3A_1326 : vector<1x512xf32>
    %mul3A_1328 = arith.mulf %mul3A_1327, %mul3A_1327 : vector<1x512xf32>
    %neg3A_1329 = arith.constant 0.000000e+00 : f32
    %neg3A_1330 = vector.broadcast %neg3A_1329 : f32 to vector<1x512xf32>
    %neg3A_1331 = arith.subf %neg3A_1330, %mul3A_1328 : vector<1x512xf32>
    %exp3A_1332 = math.exp %neg3A_1331 : vector<1x512xf32>
    %sub3A_1333 = arith.constant 1.33333337 : f32
    %sub3A_1334 = vector.broadcast %sub3A_1333 : f32 to vector<1x512xf32>
    %sub3A_1335 = arith.subf %sqrt3A_93, %sub3A_1334 : vector<1x512xf32>
    %mul3A_1336 = arith.constant 8.000000e-01 : f32
    %mul3A_1337 = vector.broadcast %mul3A_1336 : f32 to vector<1x512xf32>
    %mul3A_1338 = arith.mulf %sub3A_1335, %mul3A_1337 : vector<1x512xf32>
    %mul3A_1339 = arith.mulf %mul3A_1338, %mul3A_1338 : vector<1x512xf32>
    %neg3A_1340 = arith.constant 0.000000e+00 : f32
    %neg3A_1341 = vector.broadcast %neg3A_1340 : f32 to vector<1x512xf32>
    %neg3A_1342 = arith.subf %neg3A_1341, %mul3A_1339 : vector<1x512xf32>
    %exp3A_1343 = math.exp %neg3A_1342 : vector<1x512xf32>
    %sub3A_1344 = arith.constant 2.66666675 : f32
    %sub3A_1345 = vector.broadcast %sub3A_1344 : f32 to vector<1x512xf32>
    %sub3A_1346 = arith.subf %sqrt3A_93, %sub3A_1345 : vector<1x512xf32>
    %mul3A_1347 = arith.constant 8.000000e-01 : f32
    %mul3A_1348 = vector.broadcast %mul3A_1347 : f32 to vector<1x512xf32>
    %mul3A_1349 = arith.mulf %sub3A_1346, %mul3A_1348 : vector<1x512xf32>
    %mul3A_1350 = arith.mulf %mul3A_1349, %mul3A_1349 : vector<1x512xf32>
    %neg3A_1351 = arith.constant 0.000000e+00 : f32
    %neg3A_1352 = vector.broadcast %neg3A_1351 : f32 to vector<1x512xf32>
    %neg3A_1353 = arith.subf %neg3A_1352, %mul3A_1350 : vector<1x512xf32>
    %exp3A_1354 = math.exp %neg3A_1353 : vector<1x512xf32>
    %sub3A_1355 = arith.constant 4.000000e+00 : f32
    %sub3A_1356 = vector.broadcast %sub3A_1355 : f32 to vector<1x512xf32>
    %sub3A_1357 = arith.subf %sqrt3A_93, %sub3A_1356 : vector<1x512xf32>
    %mul3A_1358 = arith.constant 8.000000e-01 : f32
    %mul3A_1359 = vector.broadcast %mul3A_1358 : f32 to vector<1x512xf32>
    %mul3A_1360 = arith.mulf %sub3A_1357, %mul3A_1359 : vector<1x512xf32>
    %mul3A_1361 = arith.mulf %mul3A_1360, %mul3A_1360 : vector<1x512xf32>
    %neg3A_1362 = arith.constant 0.000000e+00 : f32
    %neg3A_1363 = vector.broadcast %neg3A_1362 : f32 to vector<1x512xf32>
    %neg3A_1364 = arith.subf %neg3A_1363, %mul3A_1361 : vector<1x512xf32>
    %exp3A_1365 = math.exp %neg3A_1364 : vector<1x512xf32>
    %sub3A_1366 = arith.constant 5.33333349 : f32
    %sub3A_1367 = vector.broadcast %sub3A_1366 : f32 to vector<1x512xf32>
    %sub3A_1368 = arith.subf %sqrt3A_93, %sub3A_1367 : vector<1x512xf32>
    %mul3A_1369 = arith.constant 8.000000e-01 : f32
    %mul3A_1370 = vector.broadcast %mul3A_1369 : f32 to vector<1x512xf32>
    %mul3A_1371 = arith.mulf %sub3A_1368, %mul3A_1370 : vector<1x512xf32>
    %mul3A_1372 = arith.mulf %mul3A_1371, %mul3A_1371 : vector<1x512xf32>
    %neg3A_1373 = arith.constant 0.000000e+00 : f32
    %neg3A_1374 = vector.broadcast %neg3A_1373 : f32 to vector<1x512xf32>
    %neg3A_1375 = arith.subf %neg3A_1374, %mul3A_1372 : vector<1x512xf32>
    %exp3A_1376 = math.exp %neg3A_1375 : vector<1x512xf32>
    %sub3A_1377 = arith.constant 6.66666651 : f32
    %sub3A_1378 = vector.broadcast %sub3A_1377 : f32 to vector<1x512xf32>
    %sub3A_1379 = arith.subf %sqrt3A_93, %sub3A_1378 : vector<1x512xf32>
    %mul3A_1380 = arith.constant 8.000000e-01 : f32
    %mul3A_1381 = vector.broadcast %mul3A_1380 : f32 to vector<1x512xf32>
    %mul3A_1382 = arith.mulf %sub3A_1379, %mul3A_1381 : vector<1x512xf32>
    %mul3A_1383 = arith.mulf %mul3A_1382, %mul3A_1382 : vector<1x512xf32>
    %neg3A_1384 = arith.constant 0.000000e+00 : f32
    %neg3A_1385 = vector.broadcast %neg3A_1384 : f32 to vector<1x512xf32>
    %neg3A_1386 = arith.subf %neg3A_1385, %mul3A_1383 : vector<1x512xf32>
    %exp3A_1387 = math.exp %neg3A_1386 : vector<1x512xf32>
    %sub3A_1388 = arith.constant 8.000000e+00 : f32
    %sub3A_1389 = vector.broadcast %sub3A_1388 : f32 to vector<1x512xf32>
    %sub3A_1390 = arith.subf %sqrt3A_93, %sub3A_1389 : vector<1x512xf32>
    %mul3A_1391 = arith.constant 8.000000e-01 : f32
    %mul3A_1392 = vector.broadcast %mul3A_1391 : f32 to vector<1x512xf32>
    %mul3A_1393 = arith.mulf %sub3A_1390, %mul3A_1392 : vector<1x512xf32>
    %mul3A_1394 = arith.mulf %mul3A_1393, %mul3A_1393 : vector<1x512xf32>
    %neg3A_1395 = arith.constant 0.000000e+00 : f32
    %neg3A_1396 = vector.broadcast %neg3A_1395 : f32 to vector<1x512xf32>
    %neg3A_1397 = arith.subf %neg3A_1396, %mul3A_1394 : vector<1x512xf32>
    %exp3A_1398 = math.exp %neg3A_1397 : vector<1x512xf32>
    %sub3A_1399 = arith.constant 9.33333301 : f32
    %sub3A_1400 = vector.broadcast %sub3A_1399 : f32 to vector<1x512xf32>
    %sub3A_1401 = arith.subf %sqrt3A_93, %sub3A_1400 : vector<1x512xf32>
    %mul3A_1402 = arith.constant 8.000000e-01 : f32
    %mul3A_1403 = vector.broadcast %mul3A_1402 : f32 to vector<1x512xf32>
    %mul3A_1404 = arith.mulf %sub3A_1401, %mul3A_1403 : vector<1x512xf32>
    %mul3A_1405 = arith.mulf %mul3A_1404, %mul3A_1404 : vector<1x512xf32>
    %neg3A_1406 = arith.constant 0.000000e+00 : f32
    %neg3A_1407 = vector.broadcast %neg3A_1406 : f32 to vector<1x512xf32>
    %neg3A_1408 = arith.subf %neg3A_1407, %mul3A_1405 : vector<1x512xf32>
    %exp3A_1409 = math.exp %neg3A_1408 : vector<1x512xf32>
    %sub3A_1410 = arith.constant 10.666667 : f32
    %sub3A_1411 = vector.broadcast %sub3A_1410 : f32 to vector<1x512xf32>
    %sub3A_1412 = arith.subf %sqrt3A_93, %sub3A_1411 : vector<1x512xf32>
    %mul3A_1413 = arith.constant 8.000000e-01 : f32
    %mul3A_1414 = vector.broadcast %mul3A_1413 : f32 to vector<1x512xf32>
    %mul3A_1415 = arith.mulf %sub3A_1412, %mul3A_1414 : vector<1x512xf32>
    %mul3A_1416 = arith.mulf %mul3A_1415, %mul3A_1415 : vector<1x512xf32>
    %neg3A_1417 = arith.constant 0.000000e+00 : f32
    %neg3A_1418 = vector.broadcast %neg3A_1417 : f32 to vector<1x512xf32>
    %neg3A_1419 = arith.subf %neg3A_1418, %mul3A_1416 : vector<1x512xf32>
    %exp3A_1420 = math.exp %neg3A_1419 : vector<1x512xf32>
    %sub3A_1421 = arith.constant 1.200000e+01 : f32
    %sub3A_1422 = vector.broadcast %sub3A_1421 : f32 to vector<1x512xf32>
    %sub3A_1423 = arith.subf %sqrt3A_93, %sub3A_1422 : vector<1x512xf32>
    %mul3A_1424 = arith.constant 8.000000e-01 : f32
    %mul3A_1425 = vector.broadcast %mul3A_1424 : f32 to vector<1x512xf32>
    %mul3A_1426 = arith.mulf %sub3A_1423, %mul3A_1425 : vector<1x512xf32>
    %mul3A_1427 = arith.mulf %mul3A_1426, %mul3A_1426 : vector<1x512xf32>
    %neg3A_1428 = arith.constant 0.000000e+00 : f32
    %neg3A_1429 = vector.broadcast %neg3A_1428 : f32 to vector<1x512xf32>
    %neg3A_1430 = arith.subf %neg3A_1429, %mul3A_1427 : vector<1x512xf32>
    %exp3A_1431 = math.exp %neg3A_1430 : vector<1x512xf32>
    %sub3A_1432 = arith.constant 13.333333 : f32
    %sub3A_1433 = vector.broadcast %sub3A_1432 : f32 to vector<1x512xf32>
    %sub3A_1434 = arith.subf %sqrt3A_93, %sub3A_1433 : vector<1x512xf32>
    %mul3A_1435 = arith.constant 8.000000e-01 : f32
    %mul3A_1436 = vector.broadcast %mul3A_1435 : f32 to vector<1x512xf32>
    %mul3A_1437 = arith.mulf %sub3A_1434, %mul3A_1436 : vector<1x512xf32>
    %mul3A_1438 = arith.mulf %mul3A_1437, %mul3A_1437 : vector<1x512xf32>
    %neg3A_1439 = arith.constant 0.000000e+00 : f32
    %neg3A_1440 = vector.broadcast %neg3A_1439 : f32 to vector<1x512xf32>
    %neg3A_1441 = arith.subf %neg3A_1440, %mul3A_1438 : vector<1x512xf32>
    %exp3A_1442 = math.exp %neg3A_1441 : vector<1x512xf32>
    %sub3A_1443 = arith.constant 14.666667 : f32
    %sub3A_1444 = vector.broadcast %sub3A_1443 : f32 to vector<1x512xf32>
    %sub3A_1445 = arith.subf %sqrt3A_93, %sub3A_1444 : vector<1x512xf32>
    %mul3A_1446 = arith.constant 8.000000e-01 : f32
    %mul3A_1447 = vector.broadcast %mul3A_1446 : f32 to vector<1x512xf32>
    %mul3A_1448 = arith.mulf %sub3A_1445, %mul3A_1447 : vector<1x512xf32>
    %mul3A_1449 = arith.mulf %mul3A_1448, %mul3A_1448 : vector<1x512xf32>
    %neg3A_1450 = arith.constant 0.000000e+00 : f32
    %neg3A_1451 = vector.broadcast %neg3A_1450 : f32 to vector<1x512xf32>
    %neg3A_1452 = arith.subf %neg3A_1451, %mul3A_1449 : vector<1x512xf32>
    %exp3A_1453 = math.exp %neg3A_1452 : vector<1x512xf32>
    %sub3A_1454 = arith.constant 1.600000e+01 : f32
    %sub3A_1455 = vector.broadcast %sub3A_1454 : f32 to vector<1x512xf32>
    %sub3A_1456 = arith.subf %sqrt3A_93, %sub3A_1455 : vector<1x512xf32>
    %mul3A_1457 = arith.constant 8.000000e-01 : f32
    %mul3A_1458 = vector.broadcast %mul3A_1457 : f32 to vector<1x512xf32>
    %mul3A_1459 = arith.mulf %sub3A_1456, %mul3A_1458 : vector<1x512xf32>
    %mul3A_1460 = arith.mulf %mul3A_1459, %mul3A_1459 : vector<1x512xf32>
    %neg3A_1461 = arith.constant 0.000000e+00 : f32
    %neg3A_1462 = vector.broadcast %neg3A_1461 : f32 to vector<1x512xf32>
    %neg3A_1463 = arith.subf %neg3A_1462, %mul3A_1460 : vector<1x512xf32>
    %exp3A_1464 = math.exp %neg3A_1463 : vector<1x512xf32>
    %sub3A_1465 = arith.constant 17.333334 : f32
    %sub3A_1466 = vector.broadcast %sub3A_1465 : f32 to vector<1x512xf32>
    %sub3A_1467 = arith.subf %sqrt3A_93, %sub3A_1466 : vector<1x512xf32>
    %mul3A_1468 = arith.constant 8.000000e-01 : f32
    %mul3A_1469 = vector.broadcast %mul3A_1468 : f32 to vector<1x512xf32>
    %mul3A_1470 = arith.mulf %sub3A_1467, %mul3A_1469 : vector<1x512xf32>
    %mul3A_1471 = arith.mulf %mul3A_1470, %mul3A_1470 : vector<1x512xf32>
    %neg3A_1472 = arith.constant 0.000000e+00 : f32
    %neg3A_1473 = vector.broadcast %neg3A_1472 : f32 to vector<1x512xf32>
    %neg3A_1474 = arith.subf %neg3A_1473, %mul3A_1471 : vector<1x512xf32>
    %exp3A_1475 = math.exp %neg3A_1474 : vector<1x512xf32>
    %sub3A_1476 = arith.constant 18.666666 : f32
    %sub3A_1477 = vector.broadcast %sub3A_1476 : f32 to vector<1x512xf32>
    %sub3A_1478 = arith.subf %sqrt3A_93, %sub3A_1477 : vector<1x512xf32>
    %mul3A_1479 = arith.constant 8.000000e-01 : f32
    %mul3A_1480 = vector.broadcast %mul3A_1479 : f32 to vector<1x512xf32>
    %mul3A_1481 = arith.mulf %sub3A_1478, %mul3A_1480 : vector<1x512xf32>
    %mul3A_1482 = arith.mulf %mul3A_1481, %mul3A_1481 : vector<1x512xf32>
    %neg3A_1483 = arith.constant 0.000000e+00 : f32
    %neg3A_1484 = vector.broadcast %neg3A_1483 : f32 to vector<1x512xf32>
    %neg3A_1485 = arith.subf %neg3A_1484, %mul3A_1482 : vector<1x512xf32>
    %exp3A_1486 = math.exp %neg3A_1485 : vector<1x512xf32>
    %sub3A_1487 = arith.constant 2.000000e+01 : f32
    %sub3A_1488 = vector.broadcast %sub3A_1487 : f32 to vector<1x512xf32>
    %sub3A_1489 = arith.subf %sqrt3A_93, %sub3A_1488 : vector<1x512xf32>
    %mul3A_1490 = arith.constant 8.000000e-01 : f32
    %mul3A_1491 = vector.broadcast %mul3A_1490 : f32 to vector<1x512xf32>
    %mul3A_1492 = arith.mulf %sub3A_1489, %mul3A_1491 : vector<1x512xf32>
    %mul3A_1493 = arith.mulf %mul3A_1492, %mul3A_1492 : vector<1x512xf32>
    %neg3A_1494 = arith.constant 0.000000e+00 : f32
    %neg3A_1495 = vector.broadcast %neg3A_1494 : f32 to vector<1x512xf32>
    %neg3A_1496 = arith.subf %neg3A_1495, %mul3A_1493 : vector<1x512xf32>
    %exp3A_1497 = math.exp %neg3A_1496 : vector<1x512xf32>
    %broadcast_in_dim3A = arith.constant 0.000000e+00 : f32
    %broadcast_in_dim3A_1498 = vector.broadcast %broadcast_in_dim3A : f32 to vector<1x512xf32>
    %concatenate3A = tpu.concatenate %add3A_171, %add3A_179, %add3A_187, %add3A_195, %add3A_203, %add3A_211, %add3A_219, %add3A_227, %add3A_235, %add3A_243, %add3A_251, %add3A_259, %add3A_267, %add3A_275, %add3A_283, %add3A_291, %add3A_299, %add3A_307, %div3A_346, %div3A_347, %div3A_348, %div3A_440, %div3A_441, %div3A_442, %div3A_443, %exp3A, %exp3A_463, %exp3A_474, %exp3A_485, %exp3A_496, %exp3A_507, %exp3A_518, %exp3A_529, %exp3A_540, %exp3A_551, %exp3A_562, %exp3A_573, %exp3A_584, %exp3A_595, %exp3A_606, %exp3A_617, %exp3A_628, %exp3A_639, %exp3A_650, %exp3A_661, %exp3A_672, %exp3A_683, %exp3A_694, %exp3A_705, %exp3A_716, %exp3A_727, %exp3A_738, %exp3A_749, %exp3A_760, %exp3A_771, %exp3A_782, %exp3A_793, %exp3A_804, %exp3A_815, %exp3A_826, %exp3A_837, %exp3A_848, %exp3A_859, %exp3A_870, %exp3A_881, %exp3A_892, %exp3A_903, %exp3A_914, %exp3A_925, %exp3A_936, %exp3A_947, %exp3A_958, %exp3A_969, %exp3A_980, %exp3A_991, %exp3A_1002, %exp3A_1013, %exp3A_1024, %exp3A_1035, %exp3A_1046, %exp3A_1057, %exp3A_1068, %exp3A_1079, %exp3A_1090, %exp3A_1101, %exp3A_1112, %exp3A_1123, %exp3A_1134, %exp3A_1145, %exp3A_1156, %exp3A_1167, %exp3A_1178, %exp3A_1189, %exp3A_1200, %exp3A_1211, %exp3A_1222, %exp3A_1233, %exp3A_1244, %exp3A_1255, %exp3A_1266, %exp3A_1277, %exp3A_1288, %exp3A_1299, %exp3A_1310, %exp3A_1321, %exp3A_1332, %exp3A_1343, %exp3A_1354, %exp3A_1365, %exp3A_1376, %exp3A_1387, %exp3A_1398, %exp3A_1409, %exp3A_1420, %exp3A_1431, %exp3A_1442, %exp3A_1453, %exp3A_1464, %exp3A_1475, %exp3A_1486, %exp3A_1497, %broadcast_in_dim3A_1498, %broadcast_in_dim3A_1498, %broadcast_in_dim3A_1498, %broadcast_in_dim3A_1498, %broadcast_in_dim3A_1498, %broadcast_in_dim3A_1498, %broadcast_in_dim3A_1498 in 0 : vector<1x512xf32>, vector<1x512xf32>, vector<1x512xf32>, vector<1x512xf32>, vector<1x512xf32>, vector<1x512xf32>, vector<1x512xf32>, vector<1x512xf32>, vector<1x512xf32>, vector<1x512xf32>, vector<1x512xf32>, vector<1x512xf32>, vector<1x512xf32>, vector<1x512xf32>, vector<1x512xf32>, vector<1x512xf32>, vector<1x512xf32>, vector<1x512xf32>, vector<1x512xf32>, vector<1x512xf32>, vector<1x512xf32>, vector<1x512xf32>, vector<1x512xf32>, vector<1x512xf32>, vector<1x512xf32>, vector<1x512xf32>, vector<1x512xf32>, vector<1x512xf32>, vector<1x512xf32>, vector<1x512xf32>, vector<1x512xf32>, vector<1x512xf32>, vector<1x512xf32>, vector<1x512xf32>, vector<1x512xf32>, vector<1x512xf32>, vector<1x512xf32>, vector<1x512xf32>, vector<1x512xf32>, vector<1x512xf32>, vector<1x512xf32>, vector<1x512xf32>, vector<1x512xf32>, vector<1x512xf32>, vector<1x512xf32>, vector<1x512xf32>, vector<1x512xf32>, vector<1x512xf32>, vector<1x512xf32>, vector<1x512xf32>, vector<1x512xf32>, vector<1x512xf32>, vector<1x512xf32>, vector<1x512xf32>, vector<1x512xf32>, vector<1x512xf32>, vector<1x512xf32>, vector<1x512xf32>, vector<1x512xf32>, vector<1x512xf32>, vector<1x512xf32>, vector<1x512xf32>, vector<1x512xf32>, vector<1x512xf32>, vector<1x512xf32>, vector<1x512xf32>, vector<1x512xf32>, vector<1x512xf32>, vector<1x512xf32>, vector<1x512xf32>, vector<1x512xf32>, vector<1x512xf32>, vector<1x512xf32>, vector<1x512xf32>, vector<1x512xf32>, vector<1x512xf32>, vector<1x512xf32>, vector<1x512xf32>, vector<1x512xf32>, vector<1x512xf32>, vector<1x512xf32>, vector<1x512xf32>, vector<1x512xf32>, vector<1x512xf32>, vector<1x512xf32>, vector<1x512xf32>, vector<1x512xf32>, vector<1x512xf32>, vector<1x512xf32>, vector<1x512xf32>, vector<1x512xf32>, vector<1x512xf32>, vector<1x512xf32>, vector<1x512xf32>, vector<1x512xf32>, vector<1x512xf32>, vector<1x512xf32>, vector<1x512xf32>, vector<1x512xf32>, vector<1x512xf32>, vector<1x512xf32>, vector<1x512xf32>, vector<1x512xf32>, vector<1x512xf32>, vector<1x512xf32>, vector<1x512xf32>, vector<1x512xf32>, vector<1x512xf32>, vector<1x512xf32>, vector<1x512xf32>, vector<1x512xf32>, vector<1x512xf32>, vector<1x512xf32>, vector<1x512xf32>, vector<1x512xf32>, vector<1x512xf32>, vector<1x512xf32>, vector<1x512xf32>, vector<1x512xf32>, vector<1x512xf32>, vector<1x512xf32>, vector<1x512xf32>, vector<1x512xf32>, vector<1x512xf32>, vector<1x512xf32>, vector<1x512xf32>, vector<1x512xf32>, vector<1x512xf32> -> vector<128x512xf32>
    %get3A_1499 = arith.constant 0 : index
    %get3A_1500 = arith.constant 0 : index
    %get3A_1501 = vector.load %arg5[%get3A_1499, %get3A_1500] : memref<128x128xf32, #tpu.memory_space<vmem>>, vector<128x128xf32>
    %dot_general3A = arith.constant dense<0.000000e+00> : vector<128x512xf32>
    %dot_general3A_1502 = tpu.matmul %get3A_1501, %concatenate3A, %dot_general3A {dimension_numbers = #tpu.dot_dimension_numbers<[1], [0], [0], [1], [0, 0, 1, 1], [], []>, transpose_lhs_hint = false} : vector<128x128xf32>, vector<128x512xf32>, vector<128x512xf32> -> vector<128x512xf32>
    %get3A_1503 = arith.constant 0 : index
    %get3A_1504 = arith.constant 0 : index
    %get3A_1505 = vector.load %arg6[%get3A_1503, %get3A_1504] : memref<128x1xf32, #tpu.memory_space<vmem>>, vector<128x1xf32>
    %add3A_1506 = vector.broadcast %get3A_1505 : vector<128x1xf32> to vector<128x512xf32>
    %add3A_1507 = arith.addf %dot_general3A_1502, %add3A_1506 : vector<128x512xf32>
    %reduce_sum3A = arith.constant dense<0.000000e+00> : vector<512xf32>
    %reduce_sum3A_1508 = vector.multi_reduction <add>, %add3A_1507, %reduce_sum3A [0] : vector<128x512xf32> to vector<512xf32>
    %broadcast_in_dim3A_1509 = vector.shape_cast %reduce_sum3A_1508 : vector<512xf32> to vector<1x512xf32>
    %div3A_1510 = arith.constant 1.280000e+02 : f32
    %div3A_1511 = vector.broadcast %div3A_1510 : f32 to vector<1x512xf32>
    %div3A_1512 = arith.divf %broadcast_in_dim3A_1509, %div3A_1511 : vector<1x512xf32>
    %sub3A_1513 = vector.broadcast %div3A_1512 : vector<1x512xf32> to vector<128x512xf32>
    %sub3A_1514 = arith.subf %add3A_1507, %sub3A_1513 : vector<128x512xf32>
    %integer_pow3A = arith.mulf %sub3A_1514, %sub3A_1514 : vector<128x512xf32>
    %reduce_sum3A_1515 = arith.constant dense<0.000000e+00> : vector<512xf32>
    %reduce_sum3A_1516 = vector.multi_reduction <add>, %integer_pow3A, %reduce_sum3A_1515 [0] : vector<128x512xf32> to vector<512xf32>
    %broadcast_in_dim3A_1517 = vector.shape_cast %reduce_sum3A_1516 : vector<512xf32> to vector<1x512xf32>
    %div3A_1518 = arith.constant 1.280000e+02 : f32
    %div3A_1519 = vector.broadcast %div3A_1518 : f32 to vector<1x512xf32>
    %div3A_1520 = arith.divf %broadcast_in_dim3A_1517, %div3A_1519 : vector<1x512xf32>
    %sub3A_1521 = vector.broadcast %div3A_1512 : vector<1x512xf32> to vector<128x512xf32>
    %sub3A_1522 = arith.subf %add3A_1507, %sub3A_1521 : vector<128x512xf32>
    %add3A_1523 = arith.constant 9.99999974E-6 : f32
    %add3A_1524 = vector.broadcast %add3A_1523 : f32 to vector<1x512xf32>
    %add3A_1525 = arith.addf %div3A_1520, %add3A_1524 : vector<1x512xf32>
    %rsqrt3A = math.rsqrt %add3A_1525 : vector<1x512xf32>
    %mul3A_1526 = vector.broadcast %rsqrt3A : vector<1x512xf32> to vector<128x512xf32>
    %mul3A_1527 = arith.mulf %sub3A_1522, %mul3A_1526 : vector<128x512xf32>
    %get3A_1528 = arith.constant 0 : index
    %get3A_1529 = arith.constant 0 : index
    %get3A_1530 = vector.load %arg7[%get3A_1528, %get3A_1529] : memref<128x1xf32, #tpu.memory_space<vmem>>, vector<128x1xf32>
    %mul3A_1531 = vector.broadcast %get3A_1530 : vector<128x1xf32> to vector<128x512xf32>
    %mul3A_1532 = arith.mulf %mul3A_1527, %mul3A_1531 : vector<128x512xf32>
    %get3A_1533 = arith.constant 0 : index
    %get3A_1534 = arith.constant 0 : index
    %get3A_1535 = vector.load %arg8[%get3A_1533, %get3A_1534] : memref<128x1xf32, #tpu.memory_space<vmem>>, vector<128x1xf32>
    %add3A_1536 = vector.broadcast %get3A_1535 : vector<128x1xf32> to vector<128x512xf32>
    %add3A_1537 = arith.addf %mul3A_1532, %add3A_1536 : vector<128x512xf32>
    %swap3A = arith.constant 0 : index
    %swap3A_1538 = arith.constant 0 : index
    %swap3A_1539 = arith.constant 0 : index
    %swap3A_1540 = vector.load %arg9[%swap3A, %swap3A_1538, %swap3A_1539] : memref<1x128x512xf32, #tpu.memory_space<vmem>>, vector<1x128x512xf32>
    %swap3A_1541 = vector.shape_cast %swap3A_1540 : vector<1x128x512xf32> to vector<128x512xf32>
    %swap3A_1542 = vector.shape_cast %add3A_1537 : vector<128x512xf32> to vector<1x128x512xf32>
    tpu.vector_store %arg9[%swap3A, %swap3A_1538, %swap3A_1539], %swap3A_1542 {strides = array<i32>} : memref<1x128x512xf32, #tpu.memory_space<vmem>>, vector<1x128x512xf32>,
    return
  }
  func.func @transform_0(%arg0: i32, %arg1: i32) -> (i32, i32, i32) {
    %c0_i32 = arith.constant 0 : i32
    %c0_i32_0 = arith.constant 0 : i32
    return %arg0, %c0_i32, %arg1 : i32, i32, i32
  }
  func.func @transform_1(%arg0: i32, %arg1: i32) -> (i32, i32, i32) {
    %c0_i32 = arith.constant 0 : i32
    %c0_i32_0 = arith.constant 0 : i32
    return %arg0, %c0_i32, %arg1 : i32, i32, i32
  }
  func.func @transform_2(%arg0: i32, %arg1: i32) -> (i32, i32, i32) {
    %c0_i32 = arith.constant 0 : i32
    %c0_i32_0 = arith.constant 0 : i32
    return %arg0, %c0_i32, %arg1 : i32, i32, i32
  }
  func.func @transform_3(%arg0: i32, %arg1: i32) -> (i32, i32) {
    %c0_i32 = arith.constant 0 : i32
    %c0_i32_0 = arith.constant 0 : i32
    %c0_i32_1 = arith.constant 0 : i32
    return %c0_i32, %c0_i32_0 : i32, i32
  }
  func.func @transform_4(%arg0: i32, %arg1: i32) -> (i32, i32) {
    %c0_i32 = arith.constant 0 : i32
    %c0_i32_0 = arith.constant 0 : i32
    %c0_i32_1 = arith.constant 0 : i32
    return %c0_i32, %c0_i32_0 : i32, i32
  }
  func.func @transform_5(%arg0: i32, %arg1: i32) -> (i32, i32) {
    %c0_i32 = arith.constant 0 : i32
    %c0_i32_0 = arith.constant 0 : i32
    %c0_i32_1 = arith.constant 0 : i32
    return %c0_i32, %c0_i32_0 : i32, i32
  }
  func.func @transform_6(%arg0: i32, %arg1: i32) -> (i32, i32) {
    %c0_i32 = arith.constant 0 : i32
    %c0_i32_0 = arith.constant 0 : i32
    %c0_i32_1 = arith.constant 0 : i32
    return %c0_i32, %c0_i32_0 : i32, i32
  }
  func.func @transform_7(%arg0: i32, %arg1: i32) -> (i32, i32, i32) {
    %c0_i32 = arith.constant 0 : i32
    %c0_i32_0 = arith.constant 0 : i32
    return %arg0, %c0_i32, %arg1 : i32, i32, i32
  }
}

module attributes {stable_mosaic.version = 14 : i64} {
  func.func @_proj_ln_body(%arg0: i32, %arg1: memref<512x267xf32, #tpu.memory_space<vmem>>, %arg2: memref<267x128xf32, #tpu.memory_space<vmem>>, %arg3: memref<1x128xf32, #tpu.memory_space<vmem>>, %arg4: memref<1x128xf32, #tpu.memory_space<vmem>>, %arg5: memref<1x128xf32, #tpu.memory_space<vmem>>, %arg6: memref<512x128xf32, #tpu.memory_space<vmem>>) attributes {dimension_semantics = [#tpu.dimension_semantics<arbitrary>], iteration_bounds = array<i64: 16>, scalar_prefetch = 0 : i64, scratch_operands = 0 : i64, tpu.core_type = #tpu.core_type<tc>, window_params = [{transform_indices = @transform_0, window_bounds = array<i64: 512, 267>}, {pipeline_mode = #tpu.pipeline_mode<synchronous>, transform_indices = @transform_1, window_bounds = array<i64: 267, 128>}, {pipeline_mode = #tpu.pipeline_mode<synchronous>, transform_indices = @transform_2, window_bounds = array<i64: 1, 128>}, {pipeline_mode = #tpu.pipeline_mode<synchronous>, transform_indices = @transform_3, window_bounds = array<i64: 1, 128>}, {pipeline_mode = #tpu.pipeline_mode<synchronous>, transform_indices = @transform_4, window_bounds = array<i64: 1, 128>}, {transform_indices = @transform_5, window_bounds = array<i64: 512, 128>}]} {
    %get3A = arith.constant 0 : index
    %get3A_0 = arith.constant 0 : index
    %get3A_1 = vector.load %arg1[%get3A, %get3A_0] : memref<512x267xf32, #tpu.memory_space<vmem>>, vector<512x267xf32>
    %get3A_2 = arith.constant 0 : index
    %get3A_3 = arith.constant 0 : index
    %get3A_4 = vector.load %arg2[%get3A_2, %get3A_3] : memref<267x128xf32, #tpu.memory_space<vmem>>, vector<267x128xf32>
    %dot_general3A = arith.constant dense<0.000000e+00> : vector<512x128xf32>
    %dot_general3A_5 = tpu.matmul %get3A_1, %get3A_4, %dot_general3A {dimension_numbers = #tpu.dot_dimension_numbers<[1], [0], [0], [1], [0, 0, 1, 1], [], []>, transpose_lhs_hint = false} : vector<512x267xf32>, vector<267x128xf32>, vector<512x128xf32> -> vector<512x128xf32>
    %get3A_6 = arith.constant 0 : index
    %get3A_7 = arith.constant 0 : index
    %get3A_8 = vector.load %arg3[%get3A_6, %get3A_7] : memref<1x128xf32, #tpu.memory_space<vmem>>, vector<1x128xf32>
    %add3A = vector.broadcast %get3A_8 : vector<1x128xf32> to vector<512x128xf32>
    %add3A_9 = arith.addf %dot_general3A_5, %add3A : vector<512x128xf32>
    %reduce_sum3A = arith.constant dense<0.000000e+00> : vector<512xf32>
    %reduce_sum3A_10 = vector.multi_reduction <add>, %add3A_9, %reduce_sum3A [1] : vector<512x128xf32> to vector<512xf32>
    %broadcast_in_dim3A = vector.shape_cast %reduce_sum3A_10 : vector<512xf32> to vector<512x1xf32>
    %div3A = arith.constant 1.280000e+02 : f32
    %div3A_11 = vector.broadcast %div3A : f32 to vector<512x1xf32>
    %div3A_12 = arith.divf %broadcast_in_dim3A, %div3A_11 : vector<512x1xf32>
    %sub3A = vector.broadcast %div3A_12 : vector<512x1xf32> to vector<512x128xf32>
    %sub3A_13 = arith.subf %add3A_9, %sub3A : vector<512x128xf32>
    %integer_pow3A = arith.mulf %sub3A_13, %sub3A_13 : vector<512x128xf32>
    %reduce_sum3A_14 = arith.constant dense<0.000000e+00> : vector<512xf32>
    %reduce_sum3A_15 = vector.multi_reduction <add>, %integer_pow3A, %reduce_sum3A_14 [1] : vector<512x128xf32> to vector<512xf32>
    %broadcast_in_dim3A_16 = vector.shape_cast %reduce_sum3A_15 : vector<512xf32> to vector<512x1xf32>
    %div3A_17 = arith.constant 1.280000e+02 : f32
    %div3A_18 = vector.broadcast %div3A_17 : f32 to vector<512x1xf32>
    %div3A_19 = arith.divf %broadcast_in_dim3A_16, %div3A_18 : vector<512x1xf32>
    %sub3A_20 = vector.broadcast %div3A_12 : vector<512x1xf32> to vector<512x128xf32>
    %sub3A_21 = arith.subf %add3A_9, %sub3A_20 : vector<512x128xf32>
    %add3A_22 = arith.constant 9.99999974E-6 : f32
    %add3A_23 = vector.broadcast %add3A_22 : f32 to vector<512x1xf32>
    %add3A_24 = arith.addf %div3A_19, %add3A_23 : vector<512x1xf32>
    %rsqrt3A = math.rsqrt %add3A_24 : vector<512x1xf32>
    %mul3A = vector.broadcast %rsqrt3A : vector<512x1xf32> to vector<512x128xf32>
    %mul3A_25 = arith.mulf %sub3A_21, %mul3A : vector<512x128xf32>
    %get3A_26 = arith.constant 0 : index
    %get3A_27 = arith.constant 0 : index
    %get3A_28 = vector.load %arg4[%get3A_26, %get3A_27] : memref<1x128xf32, #tpu.memory_space<vmem>>, vector<1x128xf32>
    %mul3A_29 = vector.broadcast %get3A_28 : vector<1x128xf32> to vector<512x128xf32>
    %mul3A_30 = arith.mulf %mul3A_25, %mul3A_29 : vector<512x128xf32>
    %get3A_31 = arith.constant 0 : index
    %get3A_32 = arith.constant 0 : index
    %get3A_33 = vector.load %arg5[%get3A_31, %get3A_32] : memref<1x128xf32, #tpu.memory_space<vmem>>, vector<1x128xf32>
    %add3A_34 = vector.broadcast %get3A_33 : vector<1x128xf32> to vector<512x128xf32>
    %add3A_35 = arith.addf %mul3A_30, %add3A_34 : vector<512x128xf32>
    %swap3A = arith.constant 0 : index
    %swap3A_36 = arith.constant 0 : index
    %swap3A_37 = vector.load %arg6[%swap3A, %swap3A_36] : memref<512x128xf32, #tpu.memory_space<vmem>>, vector<512x128xf32>
    tpu.vector_store %arg6[%swap3A, %swap3A_36], %add3A_35 {strides = array<i32>} : memref<512x128xf32, #tpu.memory_space<vmem>>, vector<512x128xf32>,
    return
  }
  func.func @transform_0(%arg0: i32) -> (i32, i32) {
    %c0_i32 = arith.constant 0 : i32
    %c0_i32_0 = arith.constant 0 : i32
    return %arg0, %c0_i32 : i32, i32
  }
  func.func @transform_1(%arg0: i32) -> (i32, i32) {
    %c0_i32 = arith.constant 0 : i32
    %c0_i32_0 = arith.constant 0 : i32
    %c0_i32_1 = arith.constant 0 : i32
    return %c0_i32, %c0_i32_0 : i32, i32
  }
  func.func @transform_2(%arg0: i32) -> (i32, i32) {
    %c0_i32 = arith.constant 0 : i32
    %c0_i32_0 = arith.constant 0 : i32
    %c0_i32_1 = arith.constant 0 : i32
    return %c0_i32, %c0_i32_0 : i32, i32
  }
  func.func @transform_3(%arg0: i32) -> (i32, i32) {
    %c0_i32 = arith.constant 0 : i32
    %c0_i32_0 = arith.constant 0 : i32
    %c0_i32_1 = arith.constant 0 : i32
    return %c0_i32, %c0_i32_0 : i32, i32
  }
  func.func @transform_4(%arg0: i32) -> (i32, i32) {
    %c0_i32 = arith.constant 0 : i32
    %c0_i32_0 = arith.constant 0 : i32
    %c0_i32_1 = arith.constant 0 : i32
    return %c0_i32, %c0_i32_0 : i32, i32
  }
  func.func @transform_5(%arg0: i32) -> (i32, i32) {
    %c0_i32 = arith.constant 0 : i32
    %c0_i32_0 = arith.constant 0 : i32
    return %arg0, %c0_i32 : i32, i32
  }
}

</mosaic_0001>

<sc_bundles>
// kernel: sparse-core-data-format-call.1.cloned.1.call-start
scs
called_computation.1_lowered:
.L_overlay_start_0:
0x0: {  	s2 =	sld [smem:$0x3FD9]  }
0x1: {  	s3 =	sld [smem:$0x3FFE];
	_ =	sdelay $0x1  }
0x2: {  	s1 =	srdreg.scid  }
0x3: {  	s0 =	sand.u32 $0x1, s1  }
0x4: {  	s15 =	sshll.u32 s0, $0xA;
	s2 =	sadd.s32 s3, s2  }
0x5: {  	s2 =	sadd.s32 s2, s15  }
0x6: {  	[smem:$0x3FBE] =	sst s2  }
0x7: {  	_ = 	snop  }
0x8: {  	s2 =	sld [smem:$0x3FD0];
	_ =	sdelay $0x2  }
0x9: {  	s16 =	simm.s32 $0xA;
	s4 =	simm.s32 $0x10  }
0xa: {  	[smem:s4], [sflag:s16] =	dma.local [hbm:s2], $0x1  }
0xb: {  	_ =	swait.eq [sflag:s16], $0x1  }
0xc: {  	[sflag:s16] =	ssyncset.done $0x0  }
0xd: {  	[sflag:s16] =	ssyncadd.s32 $0xFFFFFFFF  }
0xe: {  	s17 =	sld [smem:$0x11];
	(tm) =	ssettm $0x1  }
0xf: {  	s18 =	sld [smem:$0x3FFB];
	_ =	sdelay $0x3  }
0x10: {  	_ =	strace s18  }
0x11: {  	s3 =	sld [smem:$0x3FFC];
	_ =	sdelay $0x3  }
0x12: {  	_ =	strace s3  }
0x13: {  	s3 =	sld [smem:$0x3FFD];
	_ =	sdelay $0x3  }
0x14: {  	_ =	strace s3  }
0x15: {  	_ =	strace $0x8FFFFFFF  }
0x16: {  	s19 =	sld [smem:$0x3FDB];
	_ =	sdelay $0x1  }
0x17: {  	s20 =	simm.s32 $_scs_section_size  }
0x18: {  	s5 =	simm.s32 $_size__tile_overlayer_lowered;
	s6 =	simm.s32 $_tile_overlayer_lowered  }
0x19: {  	s23 =	simm.s32 $0x1BFF;
	s22 =	sshll.u32 s6, $0x1;
	s3 =	sadd.s32 s20, s19  }
0x1a: {  	s7 =	simm.s32 $0x0;
	s21 =	sshll.u32 s5, $0x1;
	s5 =	sadd.s32 s22, s3  }
0x1b: {  	[timem:s7], [sflag:s23] =	dma.local [hbm:s5], s21  }
0x1c: {  	_ =	swait.ge [sflag:s23], s21  }
0x1d: {  	s4 =	ssub.s32 $0x0, s21;
	[sflag:s23] =	ssyncset.done $0x0  }
0x1e: {  	[sflag:s23] =	ssyncadd.s32 s4;
	_ =	sdelay $0x1  }
0x1f: {  	s24 =	simm.s32 $0x1B8B  }
0x20: {  	_ =	swait.ge [sflag:s24], $0x1  }
0x21: {  	[sflag:s24] =	ssyncset.done $0x0  }
0x22: {  	s26 =	simm.s32 $0x1B8E;
	s25 =	sld [smem:$0x3FFE];
	[sflag:s24] =	ssyncadd.s32 $0xFFFFFFFF  }
0x23: {  	s27 =	simm.s32 $execute0_lowered;
	[smem:$0x3FD2] =	sst s26  }
0x24: {  	s5 =	sshll.u32 s27, $0x1;
	_ =	strace $0x80000046;
	[dreg:$0x1] =	wrdreg $0xFFFFFFFF  }
0x25: {  	s28 =	simm.s32 $_size_execute0_lowered;
	s3 =	sadd.s32 s3, s5;
	[dreg:$0x0] =	wrdreg $0x0  }
0x26: {  	s5 =	sshll.u32 s28, $0x1;
	[dreg:$0x2] =	wrdreg s3  }
0x27: {  	[dreg:$0x3] =	wrdreg s5  }
0x28: {  	[dreg:$0x4] =	wrdreg $0xC0  }
0x29: {  	_ =	task [dreg:s7], $0x5FFFF  }
0x2a: {  	[dreg:$0x1] =	wrdreg $0xFFFFFFFF  }
0x2b: {  	[dreg:$0x0] =	wrdreg $0x60  }
0x2c: {  	[dreg:$0x2] =	wrdreg s17  }
0x2d: {  	[dreg:$0x3] =	wrdreg s25  }
0x2e: {  	[dreg:$0x4] =	wrdreg $0x9  }
0x2f: {  	_ =	task.clear_ibuf [dreg:s7], $0x5FFFF;
	_ =	strace $0x90000046  }
0x30: {  	s29 =	simm.s32 $0x9;
	_ =	strace $0x80000048  }
0x31: {  	_ =	swait.ge [sflag:s29], $0x1  }
0x32: {  	[sflag:s29] =	ssyncadd.s32 $0xFFFFFFFF  }
0x33: {  	_ =	strace $0x90000048  }
0x34: {  	_ =	sfence  }
0x35: {  	s30 =	sld [smem:$0x0];
	_ =	sdelay $0x2  }
0x36: {  	s31 =	sshll.u32 s1, $0xD;
	s1 =	sshrl.u32 s1, $0x2  }
0x37: {  	s3 =	sand.u32 $0x4000, s31;
	s1 =	sadd.s32 s1, s30  }
0x38: {  	s0 =	sor.u32 s3, s0;
	s1 =	sshll.u32 s1, $0x11  }
0x39: {  	s0 =	sor.u32 s1, s0  }
0x3a: {  	s0 =	sadd.s32 $0x8F2B, s0  }
0x3b: {  	[sflag:s0] =	ssyncadd.remote.s32 $0x1  }
0x3c: {  	_ =	sfence.sel $0xFFFF  }
0x3d: {  	[dreg:$0x0] =	wrdreg $0xFFFFFFFF;
	(pc) =	sbr.abs _section_cstart, $3  }
0x3e: {  	[dreg:$0x1] =	wrdreg $0xFFFFFFFF  }
0x3f: {  	_ =	task.clear_ibuf [dreg:s7], $0x2FFFF;
	_ =	strace $0x9FFFFFFF  }
0x40: {  	(tm) =	ssettm $0x7FFFFFFF  }
0x41: {  	_ =	shalt  }
tec
execute0_lowered:
.L_overlay_start_1:
0x0: {  	(tag) =	ssettag $0x1  }
0x1: {  	s0 =	stileid.u32;
	s2 =	rddreg [dreg:$0x0]  }
0x2: {  	s1 =	srdreg.scid;
	s4 =	rddreg [dreg:$0x1]  }
0x3: {  	s8 =	simm.s32 $0x1;
	s9 =	simm.s32 $0x2;
	s15 =	simm.s32 $0x0  }
0x4: {  	s14 =	simm.s32 $0x0;
	s3 =	sshll.u32 s0, $0x4;
	s1 =	sshll.u32 s1, $0x8  }
0x5: {  	s16 =	simm.s32 $0x0;
	s11 =	simm.s32 $0x0;
	s1 =	sor.u32 s3, s1  }
0x6: {  	s13 =	simm.s32 $0x0;
	s5 =	sand.u32 $0x7, s0;
	s3 =	sand.u32 $0x180, s1  }
0x7: {  	s4 =	sadd.s32 $0x23C00, s4;
	s12 =	smov.u32 s5;
	s7 =	ssub.s32 $0x7800, s3  }
.Ltmp0:
0x8: {  	s1 =	rddreg [dreg:$0x2];
	s6 =	sand.u32 $0x180, s7;
	(pc) =	sbr.rel .LBB1_1-.Ltmp0, $4  }
0x9: {  	_ =	strace $0x80000047;
	s10 =	smov.u32 s3;
	p0 =	sne.s32 s6, $0x0  }
0xa: {  	s7 =	sshrl.u32 s7, $0x9;
	s6 =	simm.s32 $0x1;
	s8 =	simm.s32 @!p0 $0x0  }
0xb: {  	[sflag:s6] =	ssyncpa.u1 $0x0;
	p0 =	por $0x0, $0x0;
	s7 =	sadd.s32 s8, s7  }
0xc: {  	[sflag:s9] =	ssyncpa.u1 $0x0;
	s9 =	simm.s32 $0x400;
	s8 =	sadd.s32 $0x1, s7  }
.LBB1_4:
0xd: {  	v5 =	vld [tilespmem:s20+$0xFFFFFFD0];
	[tilespmem:s19+$0x2040 ss:$0x81] =	vst.msk $0xffff, v1  }
0xe: {  	v58 =	vld [tilespmem:s20+$0xFFFFFFE0];
	[tilespmem:s19+$0x2850 ss:$0x81] =	vst.msk $0xffff, v2  }
0xf: {  	s21 =	sshra.s32 s21, $0x2;
	v59 =	vld [tilespmem:s20+$0xFFFFFFF0];
	[tilespmem:s19+$0x3060 ss:$0x81] =	vst.msk $0xffff, v3  }
0x10: {  	v60 =	vld [tilespmem:s20+$0x0];
	[tilespmem:s19+$0x0 ss:$0x81] =	vst.msk $0xffff, v0;
	s18 =	sadd.s32 s21, s18  }
0x11: {  	v61 =	vld [tilespmem:s20+$0x10];
	[tilespmem:s18+$0x3870 ss:$0x81] =	vst.msk $0xffff, v4  }
0x12: {  	v62 =	vld [tilespmem:s20+$0x20];
	[tilespmem:s18+$0x810 ss:$0x81] =	vst.msk $0xffff, v5  }
0x13: {  	v63 =	vld [tilespmem:s20+$0xFFFFFFC0];
	[tilespmem:s18+$0x1020 ss:$0x81] =	vst.msk $0xffff, v58  }
0x14: {  	s16 =	sshll.u32 s16, $0x4;
	[tilespmem:s18+$0x1830 ss:$0x81] =	vst.msk $0xffff, v59  }
0x15: {  	s15 =	sshll.u32 s15, $0x7;
	s16 =	sand.u32 $0x70, s16;
	[tilespmem:s18+$0x2040 ss:$0x81] =	vst.msk $0xffff, v60  }
0x16: {  	s30 =	sshrl.u32 s14, $0x3;
	s31 =	sand.u32 $0x7, s14;
	s16 =	sadd.s32 s4, s16;
	[tilespmem:s18+$0x2850 ss:$0x81] =	vst.msk $0xffff, v61  }
0x17: {  	s19 =	sand.u32 $0xF, s30;
	s14 =	sshll.u32 s31, $0x12;
	s15 =	sadd.s32 s15, s16;
	[tilespmem:s18+$0x3060 ss:$0x81] =	vst.msk $0xffff, v62  }
0x18: {  	s14 =	sor.u32 $0x80, s14;
	s15 =	sadd.s32 s19, s15;
	[tilespmem:s18+$0x0 ss:$0x81] =	vst.msk $0xffff, v63  }
0x19: {  	[hbm4b:s15+s14] =	stream.strided.scatter [tilespmem:s17], [sflag:$0x2], $0x4000, s9, s14, $0x20;
	[tilespmem:$0x10100] =	vst v63  }
.LBB1_5:
0x1a: {  	s17 =	sadd.s32 $0x200, s10  }
0x1b: {  	s14 =	sadd.s32 $0x80, s11;
	s18 =	smov.u32 s11;
	p2 =	sgt.s32 s17, $0x77FF  }
0x1c: {  	s18 =	smov.u32 @p2 s14  }
0x1d: {  	s20 =	smov.u32 s12;
	s14 =	sadd.s32 $0x8, s12;
	p3 =	sgt.s32 s18, $0x7F  }
0x1e: {  	s20 =	smov.u32 @p3 s14  }
0x1f: {  	s17 =	smov.u32 @p2 s3;
	p2 =	sgt.s32 s20, $0x7  }
0x20: {  	p1 =	slt.u32 s13, $0x2;
	s20 =	smov.u32 @p2 s5;
	p2 =	sne.s32 s13, s8  }
.Ltmp1:
0x21: {  	s19 =	simm.s32 @!p1 $0x2;
	(pc) =	sbr.rel @!p2 .LBB1_6-.Ltmp1, $4  }
0x22: {  	s15 =	smov.u32 s10;
	s16 =	smov.u32 s12;
	_ =	swait.ge @!p1 [sflag:s19], $0x4000  }
0x23: {  	p0 =	por !p0, !p0;
	[sflag:s19] =	ssyncset.done @!p1 $0x0;
	s10 =	smov.u32 s17  }
0x24: {  	s18 =	simm.s32 @p3 $0x0;
	s14 =	smov.u32 s11;
	[sflag:s19] =	ssyncadd.s32 @!p1 $0xFFFFC000  }
0x25: {  	s11 =	smov.u32 s18;
	s13 =	sadd.s32 $0x1, s13;
	s12 =	smov.u32 s20  }
.LBB1_1:
0x26: {  	p1 =	sge.u32 s13, s7  }
0x27: {  	s17 =	sshrl.u32 @!p1 s11, $0x3  }
0x28: {  	s18 =	sshll.u32 @!p1 s10, $0x3;
	s19 =	sshll.u32 @!p1 s11, $0x7;
	s17 =	smul.u32 @!p1 $0x3C000, s17  }
0x29: {  	s20 =	sand.u32 @!p1 $0x7F, s10;
	s18 =	sand.u32 @!p1 $0xFFFFFC00, s18;
	s19 =	sand.u32 @!p1 $0x380, s19  }
0x2a: {  	s17 =	sadd.s32 @!p1 s17, s18;
	s18 =	sor.u32 @!p1 s20, s19  }
0x2b: {  	s18 =	sor.u32 @!p1 s17, s18  }
0x2c: {  	s19 =	smulhi.u32 @!p1 $0x88888889, s18  }
0x2d: {  	s17 =	smulhi.u32 @!p1 $0x88888889, s17  }
0x2e: {  	s19 =	sshrl.u32 @!p1 s19, $0xE  }
0x2f: {  	s31 =	sadd.s32 $0xFFFFFFFF, s13;
	s17 =	sshrl.u32 @!p1 s17, $0xE;
	s19 =	smul.u32 @!p1 $0x7800, s19  }
0x30: {  	s21 =	smul.u32 @!p1 $0x78000, s12;
	s20 =	sxor.u32 @!p1 $0xFFFFFFFF, s13;
	s17 =	sand.u32 @!p1 $0x7F, s17  }
0x31: {  	s20 =	sshll.u32 @!p1 s20, $0xE;
	s17 =	smul.u32 @!p1 $0xF00, s17;
	s18 =	ssub.s32 @!p1 s18, s19  }
0x32: {  	s19 =	sand.u32 @!p1 $0x4000, s20;
	s20 =	sadd.s32 @!p1 s2, s21;
	s21 =	sand.u32 @!p1 $0x7, s18  }
0x33: {  	s18 =	sshrl.u32 @!p1 s18, $0x3;
	s17 =	sadd.s32 @!p1 s17, s20;
	s20 =	sshll.u32 @!p1 s21, $0x12  }
0x34: {  	s17 =	sadd.s32 @!p1 s18, s17;
	s18 =	sor.u32 @!p1 $0x400, s20;
	s20 =	simm.s32 @!p1 $0x3C000  }
0x35: {  	[tilespmem:s19], [sflag:$0x1] =	stream.strided.gather @!p1 [hbm4b:s17+s18], $0x4000, s20, s18, $0x38;
	[tilespmem:$0x10100] =	vst v63  }
0x36: {  	p1 =	sge.u32 s31, s7  }
.Ltmp2:
0x37: {  	_ = 	snop;
	(pc) =	sbr.rel @p1 .LBB1_5-.Ltmp2, $1  }
0x38: {  	_ =	sdelay $0x3  }
0x39: {  	s17 =	simm.s32 $0x1  }
0x3a: {  	_ =	swait.ge [sflag:s6], $0x4000;
	s17 =	simm.s32 @!p0 $0x0  }
0x3b: {  	[sflag:s6] =	ssyncset.done $0x0;
	s18 =	sshll.u32 s17, $0xE  }
0x3c: {  	[sflag:s6] =	ssyncadd.s32 $0xFFFFC000;
	s20 =	sor.u32 $0x40, s18  }
0x3d: {  	s17 =	smul.u32 $0x10200, s17;
	v0 =	vld [tilespmem:s20+$0x30]  }
0x3e: {  	v3 =	vld [tilespmem:s20+$0xFFFFFFD0]  }
0x3f: {  	s17 =	sshrl.u32 s17, $0x2;
	v4 =	vld [tilespmem:s20+$0xFFFFFFE0]  }
0x40: {  	v5 =	vld [tilespmem:s20+$0xFFFFFFF0];
	s18 =	sor.u32 $0x8000, s17  }
0x41: {  	s31 =	sand.u32 $0x1, s13;
	v1 =	vld [tilespmem:s20+$0x0];
	s19 =	sadd.s32 $0x0, s18  }
0x42: {  	v2 =	vld [tilespmem:s20+$0x10];
	s17 =	smul.u32 $0x10200, s31;
	[tilespmem:s19+$0x3870 ss:$0x81] =	vst.msk $0xffff, v0  }
0x43: {  	[tilespmem:s19+$0x810 ss:$0x81] =	vst.msk $0xffff, v3;
	v3 =	vld [tilespmem:s20+$0x20]  }
0x44: {  	s17 =	sshrl.u32 s17, $0x2;
	v0 =	vld [tilespmem:s20+$0xFFFFFFC0];
	[tilespmem:s19+$0x1020 ss:$0x81] =	vst.msk $0xffff, v4;
	s20 =	sadd.s32 $0x80, s20  }
0x45: {  	s21 =	simm.s32 $0x4;
	s22 =	simm.s32 $0x8;
	s17 =	sor.u32 $0x8000, s17;
	[tilespmem:s19+$0x1830 ss:$0x81] =	vst.msk $0xffff, v5;
	v4 =	vld [tilespmem:s20+$0x30]  }
.LBB1_3:
0x46: {  	p1 =	sne.s32 s22, $0x1FC;
	v5 =	vld [tilespmem:s20+$0xFFFFFFD0];
	[tilespmem:s19+$0x2040 ss:$0x81] =	vst.msk $0xffff, v1  }
0x47: {  	v6 =	vld [tilespmem:s20+$0xFFFFFFE0];
	[tilespmem:s19+$0x2850 ss:$0x81] =	vst.msk $0xffff, v2  }
0x48: {  	s23 =	sshra.s32 s21, $0x2;
	s21 =	smov.u32 s22;
	v7 =	vld [tilespmem:s20+$0xFFFFFFF0];
	[tilespmem:s19+$0x3060 ss:$0x81] =	vst.msk $0xffff, v3  }
.Ltmp3:
0x49: {  	v1 =	vld [tilespmem:s20+$0x0];
	[tilespmem:s19+$0x0 ss:$0x81] =	vst.msk $0xffff, v0;
	s19 =	sadd.s32 s23, s18;
	(pc) =	sbr.rel @p1 .LBB1_3-.Ltmp3, $4  }
0x4a: {  	v2 =	vld [tilespmem:s20+$0x10];
	[tilespmem:s19+$0x3870 ss:$0x81] =	vst.msk $0xffff, v4  }
0x4b: {  	[tilespmem:s19+$0x810 ss:$0x81] =	vst.msk $0xffff, v5;
	v3 =	vld [tilespmem:s20+$0x20]  }
0x4c: {  	v0 =	vld [tilespmem:s20+$0xFFFFFFC0];
	[tilespmem:s19+$0x1020 ss:$0x81] =	vst.msk $0xffff, v6;
	s20 =	sadd.s32 $0x80, s20  }
0x4d: {  	s22 =	sadd.s32 $0x4, s22;
	v4 =	vld [tilespmem:s20+$0x30];
	[tilespmem:s19+$0x1830 ss:$0x81] =	vst.msk $0xffff, v7  }
.Ltmp4:
0x4e: {  	_ = 	snop;
	(pc) =	sbr.rel .LBB1_4-.Ltmp4, $1  }
0x4f: {  	_ =	sdelay $0x3  }
.LBB1_6:
0x50: {  	_ =	sfence.sel $0x180000  }
0x51: {  	s2 =	simm.s32 $0x1;
	[bflag:$0x0] =	sbarrier.arrive $0xFFFF  }
0x52: {  	s31 =	simm.s32 $0x2;
	[sflag:s2] =	ssyncpa.u1 $0x1  }
0x53: {  	[sflag:s31] =	ssyncpa.u1 $0x1  }
0x54: {  	p0 =	sne.s32 s0, $0x0;
	_ =	strace $0x90000047  }
0x55: {  	s0 =	sadd.s32 @!p0 $0x100000, s1;
	[bflag:$0x2] =	sbarrier.arrive $0xFFFF  }
0x56: {  	[sflag:s0] =	ssyncadd.tile.s32 @!p0 $0x1;
	_ =	shalt  }
.Lfunc_end1:
_tile_overlayer_lowered:
.L_overlay_start_2:
0x57: {  	(tag) =	ssettag $0x2  }
0x58: {  	s0 =	rddreg [dreg:$0x0];
	s2 =	stileid.u32  }
0x59: {  	s1 =	rddreg [dreg:$0x1];
	p0 =	sne.s32 s2, $0x0  }
0x5a: {  	s3 =	rddreg [dreg:$0x2];
	[bflag:$0x3] =	sbarrier.arrive $0xFFFF;
	s2 =	simm.s32 @!p0 $0x1C01  }
0x5b: {  	[timem:s3], [sflag:s2] =	dma.local @!p0 [hbm:s0], s1  }
0x5c: {  	s0 =	simm.s32 @!p0 $0x1  }
0x5d: {  	_ =	swait.ge @!p0 [sflag:s0], s1  }
0x5e: {  	s1 =	ssub.s32 @!p0 $0x0, s1;
	[sflag:s0] =	ssyncset.done @!p0 $0x0  }
0x5f: {  	[sflag:s0] =	ssyncadd.s32 @!p0 s1  }
0x60: {  	[bflag:$0x3] =	sbarrier.arrive $0xFFFF  }
0x61: {  	_ =	shalt  }

// kernel: sparse-core-data-format-call.cloned.1.call-start
scs
called_computation_lowered:
.L_overlay_start_0:
0x0: {  	s2 =	sld [smem:$0x3FD9]  }
0x1: {  	s3 =	sld [smem:$0x3FFE];
	_ =	sdelay $0x1  }
0x2: {  	s1 =	srdreg.scid  }
0x3: {  	s0 =	sand.u32 $0x1, s1  }
0x4: {  	s15 =	sshll.u32 s0, $0xA;
	s2 =	sadd.s32 s3, s2  }
0x5: {  	s2 =	sadd.s32 s2, s15  }
0x6: {  	[smem:$0x3FBE] =	sst s2  }
0x7: {  	_ = 	snop  }
0x8: {  	s2 =	sld [smem:$0x3FD0];
	_ =	sdelay $0x2  }
0x9: {  	s16 =	simm.s32 $0xA;
	s4 =	simm.s32 $0x10  }
0xa: {  	[smem:s4], [sflag:s16] =	dma.local [hbm:s2], $0x1  }
0xb: {  	_ =	swait.eq [sflag:s16], $0x1  }
0xc: {  	[sflag:s16] =	ssyncset.done $0x0  }
0xd: {  	[sflag:s16] =	ssyncadd.s32 $0xFFFFFFFF  }
0xe: {  	s17 =	sld [smem:$0x11];
	(tm) =	ssettm $0x1  }
0xf: {  	s18 =	sld [smem:$0x3FFB];
	_ =	sdelay $0x3  }
0x10: {  	_ =	strace s18  }
0x11: {  	s3 =	sld [smem:$0x3FFC];
	_ =	sdelay $0x3  }
0x12: {  	_ =	strace s3  }
0x13: {  	s3 =	sld [smem:$0x3FFD];
	_ =	sdelay $0x3  }
0x14: {  	_ =	strace s3  }
0x15: {  	_ =	strace $0x8FFFFFFF  }
0x16: {  	s19 =	sld [smem:$0x3FDB];
	_ =	sdelay $0x1  }
0x17: {  	s20 =	simm.s32 $_scs_section_size  }
0x18: {  	s5 =	simm.s32 $_size__tile_overlayer_lowered;
	s6 =	simm.s32 $_tile_overlayer_lowered  }
0x19: {  	s23 =	simm.s32 $0x1BFF;
	s22 =	sshll.u32 s6, $0x1;
	s3 =	sadd.s32 s20, s19  }
0x1a: {  	s7 =	simm.s32 $0x0;
	s21 =	sshll.u32 s5, $0x1;
	s5 =	sadd.s32 s22, s3  }
0x1b: {  	[timem:s7], [sflag:s23] =	dma.local [hbm:s5], s21  }
0x1c: {  	_ =	swait.ge [sflag:s23], s21  }
0x1d: {  	s4 =	ssub.s32 $0x0, s21;
	[sflag:s23] =	ssyncset.done $0x0  }
0x1e: {  	[sflag:s23] =	ssyncadd.s32 s4;
	_ =	sdelay $0x1  }
0x1f: {  	s24 =	simm.s32 $0x1B8B  }
0x20: {  	_ =	swait.ge [sflag:s24], $0x1  }
0x21: {  	[sflag:s24] =	ssyncset.done $0x0  }
0x22: {  	s26 =	simm.s32 $0x1B8E;
	s25 =	sld [smem:$0x3FFE];
	[sflag:s24] =	ssyncadd.s32 $0xFFFFFFFF  }
0x23: {  	s27 =	simm.s32 $execute0_lowered;
	[smem:$0x3FD2] =	sst s26  }
0x24: {  	s5 =	sshll.u32 s27, $0x1;
	_ =	strace $0x80000049;
	[dreg:$0x1] =	wrdreg $0xFFFFFFFF  }
0x25: {  	s28 =	simm.s32 $_size_execute0_lowered;
	s3 =	sadd.s32 s3, s5;
	[dreg:$0x0] =	wrdreg $0x0  }
0x26: {  	s5 =	sshll.u32 s28, $0x1;
	[dreg:$0x2] =	wrdreg s3  }
0x27: {  	[dreg:$0x3] =	wrdreg s5  }
0x28: {  	[dreg:$0x4] =	wrdreg $0xC0  }
0x29: {  	_ =	task [dreg:s7], $0x5FFFF  }
0x2a: {  	[dreg:$0x1] =	wrdreg $0xFFFFFFFF  }
0x2b: {  	[dreg:$0x0] =	wrdreg $0x60  }
0x2c: {  	[dreg:$0x2] =	wrdreg s25  }
0x2d: {  	[dreg:$0x3] =	wrdreg s17  }
0x2e: {  	[dreg:$0x4] =	wrdreg $0x9  }
0x2f: {  	_ =	task.clear_ibuf [dreg:s7], $0x5FFFF;
	_ =	strace $0x90000049  }
0x30: {  	s29 =	simm.s32 $0x9;
	_ =	strace $0x8000004B  }
0x31: {  	_ =	swait.ge [sflag:s29], $0x1  }
0x32: {  	[sflag:s29] =	ssyncadd.s32 $0xFFFFFFFF  }
0x33: {  	_ =	strace $0x9000004B  }
0x34: {  	_ =	sfence  }
0x35: {  	s30 =	sld [smem:$0x0];
	_ =	sdelay $0x2  }
0x36: {  	s31 =	sshll.u32 s1, $0xD;
	s1 =	sshrl.u32 s1, $0x2  }
0x37: {  	s3 =	sand.u32 $0x4000, s31;
	s1 =	sadd.s32 s1, s30  }
0x38: {  	s0 =	sor.u32 s3, s0;
	s1 =	sshll.u32 s1, $0x11  }
0x39: {  	s0 =	sor.u32 s1, s0  }
0x3a: {  	s0 =	sadd.s32 $0x8F2B, s0  }
0x3b: {  	[sflag:s0] =	ssyncadd.remote.s32 $0x1  }
0x3c: {  	_ =	sfence.sel $0xFFFF  }
0x3d: {  	[dreg:$0x0] =	wrdreg $0xFFFFFFFF;
	(pc) =	sbr.abs _section_cstart, $3  }
0x3e: {  	[dreg:$0x1] =	wrdreg $0xFFFFFFFF  }
0x3f: {  	_ =	task.clear_ibuf [dreg:s7], $0x2FFFF;
	_ =	strace $0x9FFFFFFF  }
0x40: {  	(tm) =	ssettm $0x7FFFFFFF  }
0x41: {  	_ =	shalt  }
tec
execute0_lowered:
.L_overlay_start_1:
0x0: {  	(tag) =	ssettag $0x1  }
0x1: {  	s0 =	srdreg.scid  }
0x2: {  	s1 =	sshll.u32 s0, $0x4  }
0x3: {  	s0 =	stileid.u32;
	s1 =	sand.u32 $0x10, s1  }
0x4: {  	s6 =	rddreg [dreg:$0x0];
	s1 =	sor.u32 s0, s1  }
0x5: {  	s4 =	simm.s32 $0x1;
	s7 =	simm.s32 $0x2;
	s2 =	sshll.u32 s1, $0x4  }
0x6: {  	s14 =	simm.s32 $0x0;
	s8 =	simm.s32 $0x800;
	s1 =	ssub.s32 $0x400, s2  }
0x7: {  	s9 =	simm.s32 $0x3C0000;
	s10 =	simm.s32 $0x0;
	s3 =	sand.u32 $0x1F0, s1  }
0x8: {  	s15 =	simm.s32 $0x0;
	s5 =	sshrl.u32 s1, $0x9;
	p0 =	sne.s32 s3, $0x0  }
.Ltmp0:
0x9: {  	s1 =	rddreg [dreg:$0x2];
	s4 =	simm.s32 @!p0 $0x0;
	(pc) =	sbr.rel .LBB1_1-.Ltmp0, $4  }
0xa: {  	s11 =	simm.s32 $0x0;
	s3 =	rddreg [dreg:$0x1];
	s5 =	sadd.s32 s4, s5  }
0xb: {  	_ =	strace $0x8000004A;
	s4 =	simm.s32 $0x1;
	s5 =	smul.u32 $0x1E, s5  }
0xc: {  	s13 =	simm.s32 $0x0;
	s6 =	sadd.s32 $0x23C00, s6;
	[sflag:s4] =	ssyncpa.u1 $0x0  }
0xd: {  	s12 =	smov.u32 s2;
	[sflag:s7] =	ssyncpa.u1 $0x0;
	s7 =	sor.u32 $0x1, s5  }
.LBB1_7:
0xe: {  	s16 =	sadd.s32 $0x1, s11  }
0xf: {  	s14 =	sadd.s32 $0x200, s12;
	s18 =	smov.u32 s12;
	p1 =	sgt.s32 s16, $0x1D  }
0x10: {  	s18 =	smov.u32 @p1 s14  }
0x11: {  	s16 =	simm.s32 @p1 $0x0;
	p1 =	sgt.s32 s18, $0x3FF  }
0x12: {  	s18 =	smov.u32 @p1 s2;
	p1 =	sne.s32 s13, s7  }
.Ltmp1:
0x13: {  	p0 =	slt.u32 s13, $0x2;
	(pc) =	sbr.rel @!p1 .LBB1_8-.Ltmp1, $4  }
0x14: {  	s17 =	simm.s32 @!p0 $0x2  }
0x15: {  	s15 =	smov.u32 s12;
	s10 =	sadd.s32 $0x4000, s10;
	_ =	swait.ge @!p0 [sflag:s17], $0x4000  }
0x16: {  	s14 =	smov.u32 s11;
	[sflag:s17] =	ssyncset.done @!p0 $0x0;
	s11 =	smov.u32 s16  }
0x17: {  	s13 =	sadd.s32 $0x1, s13;
	[sflag:s17] =	ssyncadd.s32 @!p0 $0xFFFFC000;
	s12 =	smov.u32 s18  }
.LBB1_1:
0x18: {  	p0 =	sge.u32 s13, s5  }
0x19: {  	s17 =	smul.u32 @!p0 $0xF00, s12  }
0x1a: {  	s31 =	sadd.s32 $0xFFFFFFFF, s13;
	s16 =	sxor.u32 @!p0 $0xFFFFFFFF, s13;
	s18 =	sshll.u32 @!p0 s11, $0x7  }
0x1b: {  	s19 =	simm.s32 @!p0 $0x7800;
	s16 =	sshll.u32 @!p0 s16, $0xE;
	s17 =	sadd.s32 @!p0 s6, s17  }
0x1c: {  	s16 =	sand.u32 @!p0 $0x4000, s16;
	s17 =	sadd.s32 @!p0 s18, s17;
	s18 =	simm.s32 @!p0 $0x400  }
0x1d: {  	[tilespmem:s16], [sflag:$0x1] =	stream.strided.gather @!p0 [hbm4b:s17+s18], $0x4000, s19, s18, $0x38;
	[tilespmem:$0x10000] =	vst v63  }
0x1e: {  	p0 =	sge.u32 s31, s5  }
.Ltmp2:
0x1f: {  	_ = 	snop;
	(pc) =	sbr.rel @p0 .LBB1_7-.Ltmp2, $1  }
0x20: {  	_ =	sdelay $0x3  }
0x21: {  	s17 =	sand.u32 $0x4000, s10  }
0x22: {  	_ =	swait.ge [sflag:s4], $0x4000;
	s19 =	sshll.u32 s13, $0xE;
	s16 =	sor.u32 $0x8040, s17  }
0x23: {  	s18 =	sor.u32 $0x40, s17;
	[sflag:s4] =	ssyncset.done $0x0;
	s31 =	sand.u32 $0x4000, s19  }
0x24: {  	s19 =	simm.s32 $0x0;
	[sflag:s4] =	ssyncadd.s32 $0xFFFFC000;
	s17 =	sor.u32 $0x8000, s31  }
.LBB1_3:
0x25: {  	v0 =	vmov s18;
	_ =	sdelay $0x3  }
0x26: {  	s21 =	simm.s32 $0x0  }
0x27: {  	v6 =	vld.idx.msk [tilespmem:v0+s21+$0x30 ss:$0x1], $0xffff  }
0x28: {  	v7 =	vld.idx.msk [tilespmem:v0+s21+$0xFFFFFFC0 ss:$0x1], $0xffff  }
0x29: {  	v5 =	vld.idx.msk [tilespmem:v0+s21+$0xFFFFFFD0 ss:$0x1], $0xffff  }
0x2a: {  	v4 =	vld.idx.msk [tilespmem:v0+s21+$0xFFFFFFE0 ss:$0x1], $0xffff  }
0x2b: {  	v3 =	vld.idx.msk [tilespmem:v0+s21+$0xFFFFFFF0 ss:$0x1], $0xffff  }
0x2c: {  	v1 =	vld.idx.msk [tilespmem:v0+s21+$0x0 ss:$0x1], $0xffff  }
0x2d: {  	v2 =	vld.idx.msk [tilespmem:v0+s21+$0x10 ss:$0x1], $0xffff;
	[tilespmem:s16+$0x30] =	vst v6  }
0x2e: {  	s20 =	simm.s32 $0x80;
	s22 =	simm.s32 $0x400;
	[tilespmem:s16+$0xFFFFFFC0] =	vst v7;
	v6 =	vld.idx.msk [tilespmem:v0+s21+$0x20 ss:$0x1], $0xffff;
	s21 =	smov.u32 s16  }
.LBB1_4:
0x2f: {  	p0 =	sne.s32 s22, $0xE00;
	v7 =	vld.idx.msk [tilespmem:v0+s20+$0x30 ss:$0x1], $0xffff;
	[tilespmem:s21+$0xFFFFFFD0] =	vst v5  }
0x30: {  	v8 =	vld.idx.msk [tilespmem:v0+s20+$0xFFFFFFC0 ss:$0x1], $0xffff;
	[tilespmem:s21+$0xFFFFFFE0] =	vst v4  }
0x31: {  	v5 =	vld.idx.msk [tilespmem:v0+s20+$0xFFFFFFD0 ss:$0x1], $0xffff;
	[tilespmem:s21+$0xFFFFFFF0] =	vst v3  }
.Ltmp3:
0x32: {  	v4 =	vld.idx.msk [tilespmem:v0+s20+$0xFFFFFFE0 ss:$0x1], $0xffff;
	[tilespmem:s21+$0x0] =	vst v1;
	(pc) =	sbr.rel @p0 .LBB1_4-.Ltmp3, $4  }
0x33: {  	v3 =	vld.idx.msk [tilespmem:v0+s20+$0xFFFFFFF0 ss:$0x1], $0xffff;
	[tilespmem:s21+$0x10] =	vst v2  }
0x34: {  	v1 =	vld.idx.msk [tilespmem:v0+s20+$0x0 ss:$0x1], $0xffff;
	[tilespmem:s21+$0x20] =	vst v6;
	s21 =	sadd.s32 $0x800, s21  }
0x35: {  	v2 =	vld.idx.msk [tilespmem:v0+s20+$0x10 ss:$0x1], $0xffff;
	[tilespmem:s21+$0x30] =	vst v7  }
0x36: {  	[tilespmem:s21+$0xFFFFFFC0] =	vst v8;
	v6 =	vld.idx.msk [tilespmem:v0+s20+$0x20 ss:$0x1], $0xffff;
	s20 =	sshra.s32 s22, $0x2;
	s22 =	sadd.s32 $0x200, s22  }
0x37: {  	_ =	sdelay $0x2  }
0x38: {  	[tilespmem:s21+$0xFFFFFFD0] =	vst v5  }
0x39: {  	v56 =	vld.idx.msk [tilespmem:v0+s20+$0x30 ss:$0x1], $0xffff;
	[tilespmem:s21+$0xFFFFFFE0] =	vst v4  }
0x3a: {  	v57 =	vld.idx.msk [tilespmem:v0+s20+$0xFFFFFFC0 ss:$0x1], $0xffff;
	[tilespmem:s21+$0xFFFFFFF0] =	vst v3  }
0x3b: {  	v58 =	vld.idx.msk [tilespmem:v0+s20+$0xFFFFFFD0 ss:$0x1], $0xffff;
	[tilespmem:s21+$0x0] =	vst v1  }
0x3c: {  	v59 =	vld.idx.msk [tilespmem:v0+s20+$0xFFFFFFE0 ss:$0x1], $0xffff;
	[tilespmem:s21+$0x10] =	vst v2  }
0x3d: {  	v60 =	vld.idx.msk [tilespmem:v0+s20+$0xFFFFFFF0 ss:$0x1], $0xffff;
	s31 =	sadd.s32 $0x800, s21;
	[tilespmem:s21+$0x20] =	vst v6  }
0x3e: {  	v61 =	vld.idx.msk [tilespmem:v0+s20+$0x0 ss:$0x1], $0xffff;
	[tilespmem:s31+$0x30] =	vst v56  }
0x3f: {  	v62 =	vld.idx.msk [tilespmem:v0+s20+$0x10 ss:$0x1], $0xffff;
	s19 =	sadd.s32 $0x1, s19;
	[tilespmem:s31+$0xFFFFFFC0] =	vst v57  }
0x40: {  	v63 =	vld.idx.msk [tilespmem:v0+s20+$0x20 ss:$0x1], $0xffff;
	p0 =	sne.s32 s19, $0x10;
	[tilespmem:s31+$0xFFFFFFD0] =	vst v58  }
.Ltmp4:
0x41: {  	[tilespmem:s31+$0xFFFFFFE0] =	vst v59;
	(pc) =	sbr.rel @p0 .LBB1_3-.Ltmp4, $4  }
0x42: {  	[tilespmem:s31+$0xFFFFFFF0] =	vst v60  }
0x43: {  	[tilespmem:s31+$0x0] =	vst v61  }
0x44: {  	[tilespmem:s31+$0x10] =	vst v62  }
0x45: {  	s16 =	sadd.s32 $0x80, s16;
	s18 =	sadd.s32 $0x400, s18;
	[tilespmem:s31+$0x20] =	vst v63  }
.Ltmp5:
0x46: {  	s15 =	sshll.u32 s15, $0x4;
	(pc) =	sbr.rel .LBB1_7-.Ltmp5, $4  }
0x47: {  	s15 =	sand.u32 $0x3FF0, s15  }
0x48: {  	s14 =	sshll.u32 s14, $0xE;
	s15 =	sadd.s32 s3, s15  }
0x49: {  	s14 =	sadd.s32 s14, s15  }
0x4a: {  	[hbm4b:s14+s8] =	stream.strided.scatter [tilespmem:s17], [sflag:$0x2], $0x4000, s9, s8, $0x38;
	[tilespmem:$0x10000] =	vst v63  }
.LBB1_8:
0x4b: {  	_ =	sfence.sel $0x180000  }
0x4c: {  	s2 =	simm.s32 $0x1;
	[bflag:$0x0] =	sbarrier.arrive $0xFFFF  }
0x4d: {  	s31 =	simm.s32 $0x2;
	[sflag:s2] =	ssyncpa.u1 $0x1  }
0x4e: {  	[sflag:s31] =	ssyncpa.u1 $0x1  }
0x4f: {  	p0 =	sne.s32 s0, $0x0;
	_ =	strace $0x9000004A  }
0x50: {  	s0 =	sadd.s32 @!p0 $0x100000, s1;
	[bflag:$0x2] =	sbarrier.arrive $0xFFFF  }
0x51: {  	[sflag:s0] =	ssyncadd.tile.s32 @!p0 $0x1;
	_ =	shalt  }
.Lfunc_end1:
_tile_overlayer_lowered:
.L_overlay_start_2:
0x52: {  	(tag) =	ssettag $0x2  }
0x53: {  	s0 =	rddreg [dreg:$0x0];
	s2 =	stileid.u32  }
0x54: {  	s1 =	rddreg [dreg:$0x1];
	p0 =	sne.s32 s2, $0x0  }
0x55: {  	s3 =	rddreg [dreg:$0x2];
	[bflag:$0x3] =	sbarrier.arrive $0xFFFF;
	s2 =	simm.s32 @!p0 $0x1C01  }
0x56: {  	[timem:s3], [sflag:s2] =	dma.local @!p0 [hbm:s0], s1  }
0x57: {  	s0 =	simm.s32 @!p0 $0x1  }
0x58: {  	_ =	swait.ge @!p0 [sflag:s0], s1  }
0x59: {  	s1 =	ssub.s32 @!p0 $0x0, s1;
	[sflag:s0] =	ssyncset.done @!p0 $0x0  }
0x5a: {  	[sflag:s0] =	ssyncadd.s32 @!p0 s1  }
0x5b: {  	[bflag:$0x3] =	sbarrier.arrive $0xFFFF  }
0x5c: {  	_ =	shalt  }

</sc_bundles>
